<compile_context>
chip_gen: v7x
topology: tpu7x:2x2x1
jax: 0.10.2.dev20260603
libtpu: 0.0.44.dev20260713+nightly
codegen_flags: <defaults>
</compile_context>

<pallas_src>
import functools

import jax
import jax.numpy as jnp
from jax import lax
from jax.experimental import pallas as pl
from jax.experimental.pallas import tpu as pltpu
from jax.experimental.pallas import tpu_sc as plsc

_B, _S, _H, _NH, _DH, _E, _DFF = 1, 2048, 768, 12, 64, 64, 2048
_TS = 256
_T = 64
_NT = _S // _T + _E
_NP = _NT * _T
_NW = 32
_RW = _S // _NW


def _attn_body(x_ref, wq_ref, wk_ref, wv_ref, bq_ref, bk_ref, bv_ref, o_ref):
    x = x_ref[...]
    q = jnp.dot(x, wq_ref[0], preferred_element_type=jnp.float32) + bq_ref[0]
    k = jnp.dot(x, wk_ref[0], preferred_element_type=jnp.float32) + bk_ref[0]
    v = jnp.dot(x, wv_ref[0], preferred_element_type=jnp.float32) + bv_ref[0]
    s = jax.lax.dot_general(
        q, k, (((1,), (1,)), ((), ())), preferred_element_type=jnp.float32
    ) * (1.0 / (_DH ** 0.5))
    p = jnp.exp(s)
    r = 1.0 / jnp.sum(p, axis=-1, keepdims=True)
    o_ref[0] = jnp.dot(p, v, preferred_element_type=jnp.float32) * r


def _attention(x, wq3, wk3, wv3, bq3, bk3, bv3):
    wspec = pl.BlockSpec((1, _H, _DH), lambda h: (h, 0, 0))
    bspec = pl.BlockSpec((1, 1, _DH), lambda h: (h, 0, 0))
    return pl.pallas_call(
        _attn_body,
        grid=(_NH,),
        in_specs=[
            pl.BlockSpec((_S, _H), lambda h: (0, 0)),
            wspec, wspec, wspec, bspec, bspec, bspec,
        ],
        out_specs=pl.BlockSpec((1, _S, _DH), lambda h: (h, 0, 0)),
        out_shape=jax.ShapeDtypeStruct((_NH, _S, _DH), jnp.float32),
    )(x, wq3, wk3, wv3, bq3, bk3, bv3)


def _post_body(
    x_ref, ctx_ref, wo_ref, bo_ref, g1_ref, beta1_ref, wsw_ref, bsw_ref,
    x1_ref, rpsum_ref, counts_ref, rpm_ref, pos_ref, te_ref,
):
    ctx = jnp.concatenate([ctx_ref[h] for h in range(_NH)], axis=1)
    y = (
        x_ref[...]
        + jnp.dot(ctx, wo_ref[...], preferred_element_type=jnp.float32)
        + bo_ref[...]
    )
    mu = jnp.mean(y, axis=-1, keepdims=True)
    var = jnp.mean((y - mu) ** 2, axis=-1, keepdims=True)
    x1 = (y - mu) / jnp.sqrt(var + 1e-5) * g1_ref[...] + beta1_ref[...]
    x1_ref[...] = x1

    logits = (
        jnp.dot(x1, wsw_ref[...], preferred_element_type=jnp.float32)
        + bsw_ref[...]
    )
    mx = jnp.max(logits, axis=-1, keepdims=True)
    ex = jnp.exp(logits - mx)
    rp = ex / jnp.sum(ex, axis=-1, keepdims=True)
    rpsum_ref[...] = jnp.sum(rp, axis=0, keepdims=True)
    rpm_ref[...] = jnp.max(rp, axis=-1, keepdims=True)
    routes = jnp.argmax(rp, axis=-1).astype(jnp.int32)
    oh = jax.lax.broadcasted_iota(jnp.int32, rp.shape, 1) == routes[:, None]
    ohf = oh.astype(jnp.float32)
    counts = jnp.sum(ohf, axis=0, keepdims=True)
    counts_ref[...] = counts

    runs = []
    chunk = 256
    for c in range(_S // chunk):
        row = c * chunk + jax.lax.broadcasted_iota(jnp.int32, (chunk, _S), 0)
        colid = jax.lax.broadcasted_iota(jnp.int32, (chunk, _S), 1)
        lower = (colid < row).astype(jnp.float32)
        runs.append(
            jnp.dot(lower, ohf, preferred_element_type=jnp.float32)
        )
    run = jnp.concatenate(runs, axis=0)
    rank = jnp.sum(run * ohf, axis=1, keepdims=True)

    pc = jnp.ceil(counts / _T) * _T
    ei = jax.lax.broadcasted_iota(jnp.int32, (_E, _E), 0)
    ej = jax.lax.broadcasted_iota(jnp.int32, (_E, _E), 1)
    lsmall = (ei < ej).astype(jnp.float32)
    po = jnp.dot(pc, lsmall, preferred_element_type=jnp.float32)
    pos = jnp.sum(po * ohf, axis=1, keepdims=True) + rank
    pos_ref[...] = pos.astype(jnp.int32)

    tstart = (
        jax.lax.broadcasted_iota(jnp.int32, (_NT, _E), 0) * _T
    ).astype(jnp.float32)
    te = jnp.sum((po <= tstart).astype(jnp.int32), axis=1, keepdims=True) - 1
    nused = (jnp.sum(pc, axis=1, keepdims=True) / _T).astype(jnp.int32)
    te_ref[...] = jnp.concatenate([te, nused], axis=0)


def _post_attn(x, ctx3, wo, bo, g1, beta1, wsw, bsw):
    return pl.pallas_call(
        _post_body,
        grid=(1,),
        in_specs=[
            pl.BlockSpec((_S, _H), lambda i: (0, 0)),
            pl.BlockSpec((_NH, _S, _DH), lambda i: (0, 0, 0)),
            pl.BlockSpec((_H, _H), lambda i: (0, 0)),
            pl.BlockSpec((1, _H), lambda i: (0, 0)),
            pl.BlockSpec((1, _H), lambda i: (0, 0)),
            pl.BlockSpec((1, _H), lambda i: (0, 0)),
            pl.BlockSpec((_H, _E), lambda i: (0, 0)),
            pl.BlockSpec((1, _E), lambda i: (0, 0)),
        ],
        out_specs=[
            pl.BlockSpec((_S, _H), lambda i: (0, 0)),
            pl.BlockSpec((1, _E), lambda i: (0, 0)),
            pl.BlockSpec((1, _E), lambda i: (0, 0)),
            pl.BlockSpec((_S, 1), lambda i: (0, 0)),
            pl.BlockSpec((_S, 1), lambda i: (0, 0)),
            pl.BlockSpec((_NT + 1, 1), lambda i: (0, 0)),
        ],
        out_shape=[
            jax.ShapeDtypeStruct((_S, _H), jnp.float32),
            jax.ShapeDtypeStruct((1, _E), jnp.float32),
            jax.ShapeDtypeStruct((1, _E), jnp.float32),
            jax.ShapeDtypeStruct((_S, 1), jnp.float32),
            jax.ShapeDtypeStruct((_S, 1), jnp.int32),
            jax.ShapeDtypeStruct((_NT + 1, 1), jnp.int32),
        ],
    )(x, ctx3, wo, bo, g1, beta1, wsw, bsw)


def _sc_scatter_body(x1_hbm, pos_hbm, out_hbm, idx_v, rows_v, sem):
    wid = lax.axis_index("s") * 2 + lax.axis_index("c")
    pltpu.sync_copy(pos_hbm.at[wid], idx_v)
    pltpu.sync_copy(x1_hbm.at[pl.ds(wid * _RW, _RW)], rows_v)
    pltpu.async_copy(rows_v, out_hbm.at[idx_v], sem).wait()


def _sc_scatter(x1, pos2d):
    mesh = plsc.VectorSubcoreMesh(core_axis_name="c", subcore_axis_name="s")
    k = pl.kernel(
        _sc_scatter_body,
        mesh=mesh,
        out_type=jax.ShapeDtypeStruct((_NP, _H), jnp.float32),
        scratch_types=[
            pltpu.VMEM((_RW,), jnp.int32),
            pltpu.VMEM((_RW, _H), jnp.float32),
            pltpu.SemaphoreType.DMA,
        ],
    )
    return k(x1, pos2d)


def _sc_gather_body(so_hbm, pos_hbm, out_hbm, idx_v, rows_v, sem):
    wid = lax.axis_index("s") * 2 + lax.axis_index("c")
    pltpu.sync_copy(pos_hbm.at[wid], idx_v)
    pltpu.async_copy(so_hbm.at[idx_v], rows_v, sem).wait()
    pltpu.sync_copy(rows_v, out_hbm.at[pl.ds(wid * _RW, _RW)])


def _sc_gather(so, pos2d):
    mesh = plsc.VectorSubcoreMesh(core_axis_name="c", subcore_axis_name="s")
    k = pl.kernel(
        _sc_gather_body,
        mesh=mesh,
        out_type=jax.ShapeDtypeStruct((_S, _H), jnp.float32),
        scratch_types=[
            pltpu.VMEM((_RW,), jnp.int32),
            pltpu.VMEM((_RW, _H), jnp.float32),
            pltpu.SemaphoreType.DMA,
        ],
    )
    return k(so, pos2d)


def _gemm_body(te_ref, xs_ref, w1_ref, b1_ref, w2_ref, b2_ref, o_ref):
    @pl.when(pl.program_id(0) < te_ref[_NT])
    def _():
        h = jnp.maximum(
            jnp.dot(xs_ref[...], w1_ref[0], preferred_element_type=jnp.float32)
            + b1_ref[0],
            0.0,
        )
        o_ref[...] = (
            jnp.dot(h, w2_ref[0], preferred_element_type=jnp.float32)
            + b2_ref[0]
        )


def _moe_grouped(te, xs, w1, b1, w2, b2):
    grid_spec = pltpu.PrefetchScalarGridSpec(
        num_scalar_prefetch=1,
        grid=(_NT,),
        in_specs=[
            pl.BlockSpec((_T, _H), lambda i, te: (i, 0)),
            pl.BlockSpec((1, _H, _DFF), lambda i, te: (te[i], 0, 0)),
            pl.BlockSpec((1, 1, _DFF), lambda i, te: (te[i], 0, 0)),
            pl.BlockSpec((1, _DFF, _H), lambda i, te: (te[i], 0, 0)),
            pl.BlockSpec((1, 1, _H), lambda i, te: (te[i], 0, 0)),
        ],
        out_specs=pl.BlockSpec((_T, _H), lambda i, te: (i, 0)),
    )
    return pl.pallas_call(
        _gemm_body,
        grid_spec=grid_spec,
        out_shape=jax.ShapeDtypeStruct((_NP, _H), jnp.float32),
    )(te, xs, w1, b1, w2, b2)


def _final_body(x1_ref, fin_ref, rpm_ref, g2_ref, beta2_ref, o_ref):
    y = x1_ref[...] + fin_ref[...] * rpm_ref[...]
    mu = jnp.mean(y, axis=-1, keepdims=True)
    var = jnp.mean((y - mu) ** 2, axis=-1, keepdims=True)
    o_ref[...] = (y - mu) / jnp.sqrt(var + 1e-5) * g2_ref[...] + beta2_ref[...]


def _final(x1, fin, rpm, g2, beta2):
    return pl.pallas_call(
        _final_body,
        grid=(_S // _TS,),
        in_specs=[
            pl.BlockSpec((_TS, _H), lambda i: (i, 0)),
            pl.BlockSpec((_TS, _H), lambda i: (i, 0)),
            pl.BlockSpec((_TS, 1), lambda i: (i, 0)),
            pl.BlockSpec((1, _H), lambda i: (0, 0)),
            pl.BlockSpec((1, _H), lambda i: (0, 0)),
        ],
        out_specs=pl.BlockSpec((_TS, _H), lambda i: (i, 0)),
        out_shape=jax.ShapeDtypeStruct((_S, _H), jnp.float32),
    )(x1, fin, rpm, g2, beta2)


def kernel(x, Wq, bq, Wk, bk, Wv, bv, Wo, bo, g1, beta1, Wsw, bsw,
           W1, b1, W2, b2, g2, beta2):
    xf = x.reshape(_S, _H)

    def per_head_w(w):
        return w.reshape(_H, _NH, _DH).transpose(1, 0, 2)

    def per_head_b(b):
        return b.reshape(_NH, 1, _DH)

    ctx3 = _attention(
        xf, per_head_w(Wq), per_head_w(Wk), per_head_w(Wv),
        per_head_b(bq), per_head_b(bk), per_head_b(bv),
    )
    x1, rpsum, counts, rpm, pos, te = _post_attn(
        xf, ctx3, Wo, bo.reshape(1, _H), g1.reshape(1, _H),
        beta1.reshape(1, _H), Wsw, bsw.reshape(1, _E),
    )
    pos2d = pos.reshape(_NW, _RW)
    xs = _sc_scatter(x1, pos2d)
    so = _moe_grouped(te.reshape(_NT + 1), xs, W1,
                      b1.reshape(_E, 1, _DFF), W2, b2.reshape(_E, 1, _H))
    fin = _sc_gather(so, pos2d)
    out = _final(x1, fin, rpm, g2.reshape(1, _H), beta2.reshape(1, _H))

    return (
        out.reshape(_B, _S, _H),
        counts.reshape(_E),
        rpsum.reshape(_E),
        0,
        rpm.reshape(_S),
    )

# --- scband reference (transcript-rebuilt; emitter-appended) ---
"""Pipeline reference for scband-transformer-block-13211319403308 (READ-ONLY COPY).

The authoritative reference and input builder live on the scoring server;
editing this copy changes nothing except your own understanding.
"""

import jax, jax.numpy as jnp
import numpy as np

B, S, H, NH, DH, E, DFF = 1, 2048, 768, 12, 64, 64, 2048

def _layernorm(x, g, b, eps=1e-5):
    mu = jnp.mean(x, axis=-1, keepdims=True)
    var = jnp.var(x, axis=-1, keepdims=True)
    return (x - mu) / jnp.sqrt(var + eps) * g + b

def setup_inputs(seed: int = 0):
    key = jax.random.key(seed)
    ks = jax.random.split(key, 12)
    def p(k, shape):
        return jax.random.normal(k, shape, dtype=jnp.float32) * 0.02
    return {
        'x': jax.random.normal(ks[0], (B, S, H), dtype=jnp.float32),
        'Wq': p(ks[1], (H, H)), 'bq': jnp.zeros((H,), jnp.float32),
        'Wk': p(ks[2], (H, H)), 'bk': jnp.zeros((H,), jnp.float32),
        'Wv': p(ks[3], (H, H)), 'bv': jnp.zeros((H,), jnp.float32),
        'Wo': p(ks[4], (H, H)), 'bo': jnp.zeros((H,), jnp.float32),
        'g1': jnp.ones((H,), jnp.float32), 'beta1': jnp.zeros((H,), jnp.float32),
        'Wsw': p(ks[5], (H, E)), 'bsw': jnp.zeros((E,), jnp.float32),
        'W1': p(ks[6], (E, H, DFF)), 'b1': jnp.zeros((E, DFF), jnp.float32),
        'W2': p(ks[7], (E, DFF, H)), 'b2': jnp.zeros((E, H), jnp.float32),
        'g2': jnp.ones((H,), jnp.float32), 'beta2': jnp.zeros((H,), jnp.float32),
    }

def _attn_norm1(x, Wq, bq, Wk, bk, Wv, bv, Wo, bo, g1, beta1):
    def split(t):
        return t.reshape(B, S, NH, DH).transpose(0, 2, 1, 3)
    q = split(x @ Wq + bq)
    k = split(x @ Wk + bk)
    v = split(x @ Wv + bv)
    scores = jnp.einsum('bhqd,bhkd->bhqk', q, k) / (DH ** 0.5)
    a = jax.nn.softmax(scores, axis=-1)
    ctx = jnp.einsum('bhqk,bhkd->bhqd', a, v).transpose(0, 2, 1, 3).reshape(B, S, H)
    return _layernorm(x + ctx @ Wo + bo, g1, beta1)

def reference(x, Wq, bq, Wk, bk, Wv, bv, Wo, bo, g1, beta1, Wsw, bsw, W1, b1, W2, b2, g2, beta2):
    # Multi-head self-attention + residual + LayerNorm (dropout inactive: eval mode)
    x1 = _attn_norm1(x, Wq, bq, Wk, bk, Wv, bv, Wo, bo, g1, beta1)
    # Switch (top-1) MoE feed-forward
    xf = x1.reshape(-1, H)
    route_prob = jax.nn.softmax(xf @ Wsw + bsw, axis=-1)
    routes = jnp.argmax(route_prob, axis=-1)
    route_prob_max = jnp.max(route_prob, axis=-1)
    counts = jnp.bincount(routes, length=E).astype(jnp.float32)
    final = jnp.zeros_like(xf)
    for i in range(E):
        mask = (routes == i)[:, None]
        hdn = jax.nn.relu(xf @ W1[i] + b1[i])
        expert_out = hdn @ W2[i] + b2[i]
        final = final + jnp.where(mask, expert_out, jnp.zeros_like(expert_out))
    final = final * route_prob_max[:, None]
    out = _layernorm(x1 + final.reshape(B, S, H), g2, beta2)
    return (out, counts, jnp.sum(route_prob, axis=0), 0, route_prob_max)

if __name__ == "__main__":
    import jax
    _d = setup_inputs()
    print(jax.jit(kernel)(*tuple(_d.values())))

</pallas_src>

<mosaic_0001>
#map = affine_map<(d0, d1) -> (0, 0)>
module attributes {stable_mosaic.version = 14 : i64} {
  func.func @_sc_scatter_body(%arg0: i32, %arg1: i32, %arg2: memref<2048x768xf32, #tpu.memory_space<hbm>>, %arg3: memref<32x64xi32, #tpu.memory_space<hbm>>, %arg4: memref<6144x768xf32, #tpu.memory_space<hbm>>, %arg5: memref<64xi32, #tpu.memory_space<vmem>>, %arg6: memref<64x768xf32, #tpu.memory_space<vmem>>, %arg7: memref<!tpu.dma_semaphore, #tpu.memory_space<semaphore_mem>>) attributes {dimension_semantics = [#tpu.dimension_semantics<core_parallel>, #tpu.dimension_semantics<subcore_parallel>], iteration_bounds = array<i64: 2, 16>, scalar_prefetch = 0 : i64, scratch_operands = 3 : i64, tpu.core_type = #tpu.core_type<sc_vector_subcore>, window_params = [{transform_indices = #map}, {transform_indices = #map}, {transform_indices = #map}]} {
    %mul3A = arith.constant 2 : i32
    %mul3A_0 = arith.muli %arg1, %mul3A : i32
    %add3A = arith.addi %mul3A_0, %arg0 : i32
    "tpu.region"() ({
      %run_scoped3A = tpu.sem_alloc : memref<!tpu.dma_semaphore, #tpu.memory_space<semaphore_mem>>
      %dma_start3A_7 = arith.constant 0 : i32
      %dma_start3A_8 = tpu.memref_slice %arg3[%add3A, %dma_start3A_7] : memref<32x64xi32, #tpu.memory_space<hbm>> -> memref<1x64xi32, #tpu.memory_space<hbm>>
      %dma_start3A_9 = tpu.memref_squeeze %dma_start3A_8 : memref<1x64xi32, #tpu.memory_space<hbm>> -> memref<64xi32, #tpu.memory_space<hbm>>
      %dma_start3A_10 = arith.constant 0 : i32
      %dma_start3A_11 = tpu.memref_slice %arg3[%add3A, %dma_start3A_10] : memref<32x64xi32, #tpu.memory_space<hbm>> -> memref<1x64xi32, #tpu.memory_space<hbm>>
      %dma_start3A_12 = tpu.memref_squeeze %dma_start3A_11 : memref<1x64xi32, #tpu.memory_space<hbm>> -> memref<64xi32, #tpu.memory_space<hbm>>
      tpu.enqueue_dma source(%dma_start3A_12 : memref<64xi32, #tpu.memory_space<hbm>>) target(%arg5 : memref<64xi32, #tpu.memory_space<vmem>>) target_semaphore(%run_scoped3A : memref<!tpu.dma_semaphore, #tpu.memory_space<semaphore_mem>>)
      %dma_wait3A_13 = arith.constant 0 : i32
      %dma_wait3A_14 = tpu.memref_slice %arg3[%add3A, %dma_wait3A_13] : memref<32x64xi32, #tpu.memory_space<hbm>> -> memref<1x64xi32, #tpu.memory_space<hbm>>
      %dma_wait3A_15 = tpu.memref_squeeze %dma_wait3A_14 : memref<1x64xi32, #tpu.memory_space<hbm>> -> memref<64xi32, #tpu.memory_space<hbm>>
      %dma_wait3A_16 = arith.constant 0 : i32
      %dma_wait3A_17 = tpu.memref_slice %arg3[%add3A, %dma_wait3A_16] : memref<32x64xi32, #tpu.memory_space<hbm>> -> memref<1x64xi32, #tpu.memory_space<hbm>>
      %dma_wait3A_18 = tpu.memref_squeeze %dma_wait3A_17 : memref<1x64xi32, #tpu.memory_space<hbm>> -> memref<64xi32, #tpu.memory_space<hbm>>
      tpu.wait_dma2 semaphore(%run_scoped3A : memref<!tpu.dma_semaphore, #tpu.memory_space<semaphore_mem>>) src(%dma_wait3A_18 : memref<64xi32, #tpu.memory_space<hbm>>) dst(%arg5 : memref<64xi32, #tpu.memory_space<vmem>>)
      tpu.yield
    }) : () -> ()
    %mul3A_1 = arith.constant 64 : i32
    %mul3A_2 = arith.muli %add3A, %mul3A_1 : i32
    "tpu.region"() ({
      %run_scoped3A = tpu.sem_alloc : memref<!tpu.dma_semaphore, #tpu.memory_space<semaphore_mem>>
      %dma_start3A_7 = arith.constant 0 : i32
      %dma_start3A_8 = tpu.memref_slice %arg2[%mul3A_2, %dma_start3A_7] : memref<2048x768xf32, #tpu.memory_space<hbm>> -> memref<64x768xf32, #tpu.memory_space<hbm>>
      %dma_start3A_9 = arith.constant 0 : i32
      %dma_start3A_10 = tpu.memref_slice %arg2[%mul3A_2, %dma_start3A_9] : memref<2048x768xf32, #tpu.memory_space<hbm>> -> memref<64x768xf32, #tpu.memory_space<hbm>>
      tpu.enqueue_dma source(%dma_start3A_10 : memref<64x768xf32, #tpu.memory_space<hbm>>) target(%arg6 : memref<64x768xf32, #tpu.memory_space<vmem>>) target_semaphore(%run_scoped3A : memref<!tpu.dma_semaphore, #tpu.memory_space<semaphore_mem>>)
      %dma_wait3A_11 = arith.constant 0 : i32
      %dma_wait3A_12 = tpu.memref_slice %arg2[%mul3A_2, %dma_wait3A_11] : memref<2048x768xf32, #tpu.memory_space<hbm>> -> memref<64x768xf32, #tpu.memory_space<hbm>>
      %dma_wait3A_13 = arith.constant 0 : i32
      %dma_wait3A_14 = tpu.memref_slice %arg2[%mul3A_2, %dma_wait3A_13] : memref<2048x768xf32, #tpu.memory_space<hbm>> -> memref<64x768xf32, #tpu.memory_space<hbm>>
      tpu.wait_dma2 semaphore(%run_scoped3A : memref<!tpu.dma_semaphore, #tpu.memory_space<semaphore_mem>>) src(%dma_wait3A_14 : memref<64x768xf32, #tpu.memory_space<hbm>>) dst(%arg6 : memref<64x768xf32, #tpu.memory_space<vmem>>)
      tpu.yield
    }) : () -> ()
    %dma_start3A = arith.constant 0 : i32
    %dma_start3A_3 = arith.constant 0 : i32
    %dma_start3A_4 = tpu.memref_slice %arg4[%dma_start3A, %dma_start3A_3] : memref<6144x768xf32, #tpu.memory_space<hbm>> -> memref<6144x768xf32, #tpu.memory_space<hbm>>
    tpu.enqueue_indirect_dma source(%arg6 : memref<64x768xf32, #tpu.memory_space<vmem>>) target(%dma_start3A_4 : memref<6144x768xf32, #tpu.memory_space<hbm>>) offsets(%arg5 : memref<64xi32, #tpu.memory_space<vmem>>) semaphore(%arg7 : memref<!tpu.dma_semaphore, #tpu.memory_space<semaphore_mem>>)
    %dma_wait3A = arith.constant 0 : i32
    %dma_wait3A_5 = arith.constant 0 : i32
    %dma_wait3A_6 = tpu.memref_slice %arg4[%dma_wait3A, %dma_wait3A_5] : memref<6144x768xf32, #tpu.memory_space<hbm>> -> memref<6144x768xf32, #tpu.memory_space<hbm>>
    tpu.wait_indirect_dma semaphore(%arg7 : memref<!tpu.dma_semaphore, #tpu.memory_space<semaphore_mem>>) src(%arg6 : memref<64x768xf32, #tpu.memory_space<vmem>>) dst(%dma_wait3A_6 : memref<6144x768xf32, #tpu.memory_space<hbm>>)
    return
  }
}

#map = affine_map<(d0, d1) -> (0, 0)>
module attributes {stable_mosaic.version = 14 : i64} {
  func.func @_sc_gather_body(%arg0: i32, %arg1: i32, %arg2: memref<6144x768xf32, #tpu.memory_space<hbm>>, %arg3: memref<32x64xi32, #tpu.memory_space<hbm>>, %arg4: memref<2048x768xf32, #tpu.memory_space<hbm>>, %arg5: memref<64xi32, #tpu.memory_space<vmem>>, %arg6: memref<64x768xf32, #tpu.memory_space<vmem>>, %arg7: memref<!tpu.dma_semaphore, #tpu.memory_space<semaphore_mem>>) attributes {dimension_semantics = [#tpu.dimension_semantics<core_parallel>, #tpu.dimension_semantics<subcore_parallel>], iteration_bounds = array<i64: 2, 16>, scalar_prefetch = 0 : i64, scratch_operands = 3 : i64, tpu.core_type = #tpu.core_type<sc_vector_subcore>, window_params = [{transform_indices = #map}, {transform_indices = #map}, {transform_indices = #map}]} {
    %mul3A = arith.constant 2 : i32
    %mul3A_0 = arith.muli %arg1, %mul3A : i32
    %add3A = arith.addi %mul3A_0, %arg0 : i32
    "tpu.region"() ({
      %run_scoped3A = tpu.sem_alloc : memref<!tpu.dma_semaphore, #tpu.memory_space<semaphore_mem>>
      %dma_start3A_7 = arith.constant 0 : i32
      %dma_start3A_8 = tpu.memref_slice %arg3[%add3A, %dma_start3A_7] : memref<32x64xi32, #tpu.memory_space<hbm>> -> memref<1x64xi32, #tpu.memory_space<hbm>>
      %dma_start3A_9 = tpu.memref_squeeze %dma_start3A_8 : memref<1x64xi32, #tpu.memory_space<hbm>> -> memref<64xi32, #tpu.memory_space<hbm>>
      %dma_start3A_10 = arith.constant 0 : i32
      %dma_start3A_11 = tpu.memref_slice %arg3[%add3A, %dma_start3A_10] : memref<32x64xi32, #tpu.memory_space<hbm>> -> memref<1x64xi32, #tpu.memory_space<hbm>>
      %dma_start3A_12 = tpu.memref_squeeze %dma_start3A_11 : memref<1x64xi32, #tpu.memory_space<hbm>> -> memref<64xi32, #tpu.memory_space<hbm>>
      tpu.enqueue_dma source(%dma_start3A_12 : memref<64xi32, #tpu.memory_space<hbm>>) target(%arg5 : memref<64xi32, #tpu.memory_space<vmem>>) target_semaphore(%run_scoped3A : memref<!tpu.dma_semaphore, #tpu.memory_space<semaphore_mem>>)
      %dma_wait3A_13 = arith.constant 0 : i32
      %dma_wait3A_14 = tpu.memref_slice %arg3[%add3A, %dma_wait3A_13] : memref<32x64xi32, #tpu.memory_space<hbm>> -> memref<1x64xi32, #tpu.memory_space<hbm>>
      %dma_wait3A_15 = tpu.memref_squeeze %dma_wait3A_14 : memref<1x64xi32, #tpu.memory_space<hbm>> -> memref<64xi32, #tpu.memory_space<hbm>>
      %dma_wait3A_16 = arith.constant 0 : i32
      %dma_wait3A_17 = tpu.memref_slice %arg3[%add3A, %dma_wait3A_16] : memref<32x64xi32, #tpu.memory_space<hbm>> -> memref<1x64xi32, #tpu.memory_space<hbm>>
      %dma_wait3A_18 = tpu.memref_squeeze %dma_wait3A_17 : memref<1x64xi32, #tpu.memory_space<hbm>> -> memref<64xi32, #tpu.memory_space<hbm>>
      tpu.wait_dma2 semaphore(%run_scoped3A : memref<!tpu.dma_semaphore, #tpu.memory_space<semaphore_mem>>) src(%dma_wait3A_18 : memref<64xi32, #tpu.memory_space<hbm>>) dst(%arg5 : memref<64xi32, #tpu.memory_space<vmem>>)
      tpu.yield
    }) : () -> ()
    %dma_start3A = arith.constant 0 : i32
    %dma_start3A_1 = arith.constant 0 : i32
    %dma_start3A_2 = tpu.memref_slice %arg2[%dma_start3A, %dma_start3A_1] : memref<6144x768xf32, #tpu.memory_space<hbm>> -> memref<6144x768xf32, #tpu.memory_space<hbm>>
    tpu.enqueue_indirect_dma source(%dma_start3A_2 : memref<6144x768xf32, #tpu.memory_space<hbm>>) target(%arg6 : memref<64x768xf32, #tpu.memory_space<vmem>>) offsets(%arg5 : memref<64xi32, #tpu.memory_space<vmem>>) semaphore(%arg7 : memref<!tpu.dma_semaphore, #tpu.memory_space<semaphore_mem>>)
    %dma_wait3A = arith.constant 0 : i32
    %dma_wait3A_3 = arith.constant 0 : i32
    %dma_wait3A_4 = tpu.memref_slice %arg2[%dma_wait3A, %dma_wait3A_3] : memref<6144x768xf32, #tpu.memory_space<hbm>> -> memref<6144x768xf32, #tpu.memory_space<hbm>>
    tpu.wait_indirect_dma semaphore(%arg7 : memref<!tpu.dma_semaphore, #tpu.memory_space<semaphore_mem>>) src(%dma_wait3A_4 : memref<6144x768xf32, #tpu.memory_space<hbm>>) dst(%arg6 : memref<64x768xf32, #tpu.memory_space<vmem>>)
    %mul3A_5 = arith.constant 64 : i32
    %mul3A_6 = arith.muli %add3A, %mul3A_5 : i32
    "tpu.region"() ({
      %run_scoped3A = tpu.sem_alloc : memref<!tpu.dma_semaphore, #tpu.memory_space<semaphore_mem>>
      %dma_start3A_7 = arith.constant 0 : i32
      %dma_start3A_8 = tpu.memref_slice %arg4[%mul3A_6, %dma_start3A_7] : memref<2048x768xf32, #tpu.memory_space<hbm>> -> memref<64x768xf32, #tpu.memory_space<hbm>>
      %dma_start3A_9 = arith.constant 0 : i32
      %dma_start3A_10 = tpu.memref_slice %arg4[%mul3A_6, %dma_start3A_9] : memref<2048x768xf32, #tpu.memory_space<hbm>> -> memref<64x768xf32, #tpu.memory_space<hbm>>
      tpu.enqueue_dma source(%arg6 : memref<64x768xf32, #tpu.memory_space<vmem>>) target(%dma_start3A_10 : memref<64x768xf32, #tpu.memory_space<hbm>>) target_semaphore(%run_scoped3A : memref<!tpu.dma_semaphore, #tpu.memory_space<semaphore_mem>>)
      %dma_wait3A_11 = arith.constant 0 : i32
      %dma_wait3A_12 = tpu.memref_slice %arg4[%mul3A_6, %dma_wait3A_11] : memref<2048x768xf32, #tpu.memory_space<hbm>> -> memref<64x768xf32, #tpu.memory_space<hbm>>
      %dma_wait3A_13 = arith.constant 0 : i32
      %dma_wait3A_14 = tpu.memref_slice %arg4[%mul3A_6, %dma_wait3A_13] : memref<2048x768xf32, #tpu.memory_space<hbm>> -> memref<64x768xf32, #tpu.memory_space<hbm>>
      tpu.wait_dma2 semaphore(%run_scoped3A : memref<!tpu.dma_semaphore, #tpu.memory_space<semaphore_mem>>) src(%arg6 : memref<64x768xf32, #tpu.memory_space<vmem>>) dst(%dma_wait3A_14 : memref<64x768xf32, #tpu.memory_space<hbm>>)
      tpu.yield
    }) : () -> ()
    return
  }
}

module attributes {stable_mosaic.version = 14 : i64} {
  func.func @_post_body(%arg0: i32, %arg1: memref<2048x768xf32, #tpu.memory_space<vmem>>, %arg2: memref<12x2048x64xf32, #tpu.memory_space<vmem>>, %arg3: memref<768x768xf32, #tpu.memory_space<vmem>>, %arg4: memref<1x768xf32, #tpu.memory_space<vmem>>, %arg5: memref<1x768xf32, #tpu.memory_space<vmem>>, %arg6: memref<1x768xf32, #tpu.memory_space<vmem>>, %arg7: memref<768x64xf32, #tpu.memory_space<vmem>>, %arg8: memref<1x64xf32, #tpu.memory_space<vmem>>, %arg9: memref<2048x768xf32, #tpu.memory_space<vmem>>, %arg10: memref<1x64xf32, #tpu.memory_space<vmem>>, %arg11: memref<1x64xf32, #tpu.memory_space<vmem>>, %arg12: memref<2048x1xf32, #tpu.memory_space<vmem>>, %arg13: memref<2048x1xi32, #tpu.memory_space<vmem>>, %arg14: memref<97x1xi32, #tpu.memory_space<vmem>>) attributes {dimension_semantics = [#tpu.dimension_semantics<arbitrary>], iteration_bounds = array<i64: 1>, scalar_prefetch = 0 : i64, scratch_operands = 0 : i64, tpu.core_type = #tpu.core_type<tc>, window_params = [{pipeline_mode = #tpu.pipeline_mode<synchronous>, transform_indices = @transform_0, window_bounds = array<i64: 2048, 768>}, {pipeline_mode = #tpu.pipeline_mode<synchronous>, transform_indices = @transform_1, window_bounds = array<i64: 12, 2048, 64>}, {pipeline_mode = #tpu.pipeline_mode<synchronous>, transform_indices = @transform_2, window_bounds = array<i64: 768, 768>}, {pipeline_mode = #tpu.pipeline_mode<synchronous>, transform_indices = @transform_3, window_bounds = array<i64: 1, 768>}, {pipeline_mode = #tpu.pipeline_mode<synchronous>, transform_indices = @transform_4, window_bounds = array<i64: 1, 768>}, {pipeline_mode = #tpu.pipeline_mode<synchronous>, transform_indices = @transform_5, window_bounds = array<i64: 1, 768>}, {pipeline_mode = #tpu.pipeline_mode<synchronous>, transform_indices = @transform_6, window_bounds = array<i64: 768, 64>}, {pipeline_mode = #tpu.pipeline_mode<synchronous>, transform_indices = @transform_7, window_bounds = array<i64: 1, 64>}, {pipeline_mode = #tpu.pipeline_mode<synchronous>, transform_indices = @transform_8, window_bounds = array<i64: 2048, 768>}, {pipeline_mode = #tpu.pipeline_mode<synchronous>, transform_indices = @transform_9, window_bounds = array<i64: 1, 64>}, {pipeline_mode = #tpu.pipeline_mode<synchronous>, transform_indices = @transform_10, window_bounds = array<i64: 1, 64>}, {pipeline_mode = #tpu.pipeline_mode<synchronous>, transform_indices = @transform_11, window_bounds = array<i64: 2048, 1>}, {pipeline_mode = #tpu.pipeline_mode<synchronous>, transform_indices = @transform_12, window_bounds = array<i64: 2048, 1>}, {pipeline_mode = #tpu.pipeline_mode<synchronous>, transform_indices = @transform_13, window_bounds = array<i64: 97, 1>}]} {
    %get3A = arith.constant 0 : index
    %get3A_0 = arith.constant 0 : index
    %get3A_1 = arith.constant 0 : index
    %get3A_2 = vector.load %arg2[%get3A, %get3A_0, %get3A_1] : memref<12x2048x64xf32, #tpu.memory_space<vmem>>, vector<1x2048x64xf32>
    %get3A_3 = vector.shape_cast %get3A_2 : vector<1x2048x64xf32> to vector<2048x64xf32>
    %get3A_4 = arith.constant 1 : index
    %get3A_5 = arith.constant 0 : index
    %get3A_6 = arith.constant 0 : index
    %get3A_7 = vector.load %arg2[%get3A_4, %get3A_5, %get3A_6] : memref<12x2048x64xf32, #tpu.memory_space<vmem>>, vector<1x2048x64xf32>
    %get3A_8 = vector.shape_cast %get3A_7 : vector<1x2048x64xf32> to vector<2048x64xf32>
    %get3A_9 = arith.constant 2 : index
    %get3A_10 = arith.constant 0 : index
    %get3A_11 = arith.constant 0 : index
    %get3A_12 = vector.load %arg2[%get3A_9, %get3A_10, %get3A_11] : memref<12x2048x64xf32, #tpu.memory_space<vmem>>, vector<1x2048x64xf32>
    %get3A_13 = vector.shape_cast %get3A_12 : vector<1x2048x64xf32> to vector<2048x64xf32>
    %get3A_14 = arith.constant 3 : index
    %get3A_15 = arith.constant 0 : index
    %get3A_16 = arith.constant 0 : index
    %get3A_17 = vector.load %arg2[%get3A_14, %get3A_15, %get3A_16] : memref<12x2048x64xf32, #tpu.memory_space<vmem>>, vector<1x2048x64xf32>
    %get3A_18 = vector.shape_cast %get3A_17 : vector<1x2048x64xf32> to vector<2048x64xf32>
    %get3A_19 = arith.constant 4 : index
    %get3A_20 = arith.constant 0 : index
    %get3A_21 = arith.constant 0 : index
    %get3A_22 = vector.load %arg2[%get3A_19, %get3A_20, %get3A_21] : memref<12x2048x64xf32, #tpu.memory_space<vmem>>, vector<1x2048x64xf32>
    %get3A_23 = vector.shape_cast %get3A_22 : vector<1x2048x64xf32> to vector<2048x64xf32>
    %get3A_24 = arith.constant 5 : index
    %get3A_25 = arith.constant 0 : index
    %get3A_26 = arith.constant 0 : index
    %get3A_27 = vector.load %arg2[%get3A_24, %get3A_25, %get3A_26] : memref<12x2048x64xf32, #tpu.memory_space<vmem>>, vector<1x2048x64xf32>
    %get3A_28 = vector.shape_cast %get3A_27 : vector<1x2048x64xf32> to vector<2048x64xf32>
    %get3A_29 = arith.constant 6 : index
    %get3A_30 = arith.constant 0 : index
    %get3A_31 = arith.constant 0 : index
    %get3A_32 = vector.load %arg2[%get3A_29, %get3A_30, %get3A_31] : memref<12x2048x64xf32, #tpu.memory_space<vmem>>, vector<1x2048x64xf32>
    %get3A_33 = vector.shape_cast %get3A_32 : vector<1x2048x64xf32> to vector<2048x64xf32>
    %get3A_34 = arith.constant 7 : index
    %get3A_35 = arith.constant 0 : index
    %get3A_36 = arith.constant 0 : index
    %get3A_37 = vector.load %arg2[%get3A_34, %get3A_35, %get3A_36] : memref<12x2048x64xf32, #tpu.memory_space<vmem>>, vector<1x2048x64xf32>
    %get3A_38 = vector.shape_cast %get3A_37 : vector<1x2048x64xf32> to vector<2048x64xf32>
    %get3A_39 = arith.constant 8 : index
    %get3A_40 = arith.constant 0 : index
    %get3A_41 = arith.constant 0 : index
    %get3A_42 = vector.load %arg2[%get3A_39, %get3A_40, %get3A_41] : memref<12x2048x64xf32, #tpu.memory_space<vmem>>, vector<1x2048x64xf32>
    %get3A_43 = vector.shape_cast %get3A_42 : vector<1x2048x64xf32> to vector<2048x64xf32>
    %get3A_44 = arith.constant 9 : index
    %get3A_45 = arith.constant 0 : index
    %get3A_46 = arith.constant 0 : index
    %get3A_47 = vector.load %arg2[%get3A_44, %get3A_45, %get3A_46] : memref<12x2048x64xf32, #tpu.memory_space<vmem>>, vector<1x2048x64xf32>
    %get3A_48 = vector.shape_cast %get3A_47 : vector<1x2048x64xf32> to vector<2048x64xf32>
    %get3A_49 = arith.constant 10 : index
    %get3A_50 = arith.constant 0 : index
    %get3A_51 = arith.constant 0 : index
    %get3A_52 = vector.load %arg2[%get3A_49, %get3A_50, %get3A_51] : memref<12x2048x64xf32, #tpu.memory_space<vmem>>, vector<1x2048x64xf32>
    %get3A_53 = vector.shape_cast %get3A_52 : vector<1x2048x64xf32> to vector<2048x64xf32>
    %get3A_54 = arith.constant 11 : index
    %get3A_55 = arith.constant 0 : index
    %get3A_56 = arith.constant 0 : index
    %get3A_57 = vector.load %arg2[%get3A_54, %get3A_55, %get3A_56] : memref<12x2048x64xf32, #tpu.memory_space<vmem>>, vector<1x2048x64xf32>
    %get3A_58 = vector.shape_cast %get3A_57 : vector<1x2048x64xf32> to vector<2048x64xf32>
    %concatenate3A = tpu.concatenate %get3A_3, %get3A_8, %get3A_13, %get3A_18, %get3A_23, %get3A_28, %get3A_33, %get3A_38, %get3A_43, %get3A_48, %get3A_53, %get3A_58 in 1 : vector<2048x64xf32>, vector<2048x64xf32>, vector<2048x64xf32>, vector<2048x64xf32>, vector<2048x64xf32>, vector<2048x64xf32>, vector<2048x64xf32>, vector<2048x64xf32>, vector<2048x64xf32>, vector<2048x64xf32>, vector<2048x64xf32>, vector<2048x64xf32> -> vector<2048x768xf32>
    %get3A_59 = arith.constant 0 : index
    %get3A_60 = arith.constant 0 : index
    %get3A_61 = vector.load %arg1[%get3A_59, %get3A_60] : memref<2048x768xf32, #tpu.memory_space<vmem>>, vector<2048x768xf32>
    %get3A_62 = arith.constant 0 : index
    %get3A_63 = arith.constant 0 : index
    %get3A_64 = vector.load %arg3[%get3A_62, %get3A_63] : memref<768x768xf32, #tpu.memory_space<vmem>>, vector<768x768xf32>
    %dot_general3A = arith.constant dense<0.000000e+00> : vector<2048x768xf32>
    %dot_general3A_65 = tpu.matmul %concatenate3A, %get3A_64, %dot_general3A {dimension_numbers = #tpu.dot_dimension_numbers<[1], [0], [0], [1], [0, 0, 1, 1], [], []>, transpose_lhs_hint = false} : vector<2048x768xf32>, vector<768x768xf32>, vector<2048x768xf32> -> vector<2048x768xf32>
    %add3A = arith.addf %get3A_61, %dot_general3A_65 : vector<2048x768xf32>
    %get3A_66 = arith.constant 0 : index
    %get3A_67 = arith.constant 0 : index
    %get3A_68 = vector.load %arg4[%get3A_66, %get3A_67] : memref<1x768xf32, #tpu.memory_space<vmem>>, vector<1x768xf32>
    %add3A_69 = vector.broadcast %get3A_68 : vector<1x768xf32> to vector<2048x768xf32>
    %add3A_70 = arith.addf %add3A, %add3A_69 : vector<2048x768xf32>
    %reduce_sum3A = arith.constant dense<0.000000e+00> : vector<2048xf32>
    %reduce_sum3A_71 = vector.multi_reduction <add>, %add3A_70, %reduce_sum3A [1] : vector<2048x768xf32> to vector<2048xf32>
    %broadcast_in_dim3A = vector.shape_cast %reduce_sum3A_71 : vector<2048xf32> to vector<2048x1xf32>
    %div3A = arith.constant 7.680000e+02 : f32
    %div3A_72 = vector.broadcast %div3A : f32 to vector<2048x1xf32>
    %div3A_73 = arith.divf %broadcast_in_dim3A, %div3A_72 : vector<2048x1xf32>
    %sub3A = vector.broadcast %div3A_73 : vector<2048x1xf32> to vector<2048x768xf32>
    %sub3A_74 = arith.subf %add3A_70, %sub3A : vector<2048x768xf32>
    %integer_pow3A = arith.mulf %sub3A_74, %sub3A_74 : vector<2048x768xf32>
    %reduce_sum3A_75 = arith.constant dense<0.000000e+00> : vector<2048xf32>
    %reduce_sum3A_76 = vector.multi_reduction <add>, %integer_pow3A, %reduce_sum3A_75 [1] : vector<2048x768xf32> to vector<2048xf32>
    %broadcast_in_dim3A_77 = vector.shape_cast %reduce_sum3A_76 : vector<2048xf32> to vector<2048x1xf32>
    %div3A_78 = arith.constant 7.680000e+02 : f32
    %div3A_79 = vector.broadcast %div3A_78 : f32 to vector<2048x1xf32>
    %div3A_80 = arith.divf %broadcast_in_dim3A_77, %div3A_79 : vector<2048x1xf32>
    %sub3A_81 = vector.broadcast %div3A_73 : vector<2048x1xf32> to vector<2048x768xf32>
    %sub3A_82 = arith.subf %add3A_70, %sub3A_81 : vector<2048x768xf32>
    %add3A_83 = arith.constant 9.99999974E-6 : f32
    %add3A_84 = vector.broadcast %add3A_83 : f32 to vector<2048x1xf32>
    %add3A_85 = arith.addf %div3A_80, %add3A_84 : vector<2048x1xf32>
    %sqrt3A = math.sqrt %add3A_85 : vector<2048x1xf32>
    %div3A_86 = vector.broadcast %sqrt3A : vector<2048x1xf32> to vector<2048x768xf32>
    %div3A_87 = arith.divf %sub3A_82, %div3A_86 : vector<2048x768xf32>
    %get3A_88 = arith.constant 0 : index
    %get3A_89 = arith.constant 0 : index
    %get3A_90 = vector.load %arg5[%get3A_88, %get3A_89] : memref<1x768xf32, #tpu.memory_space<vmem>>, vector<1x768xf32>
    %mul3A = vector.broadcast %get3A_90 : vector<1x768xf32> to vector<2048x768xf32>
    %mul3A_91 = arith.mulf %div3A_87, %mul3A : vector<2048x768xf32>
    %get3A_92 = arith.constant 0 : index
    %get3A_93 = arith.constant 0 : index
    %get3A_94 = vector.load %arg6[%get3A_92, %get3A_93] : memref<1x768xf32, #tpu.memory_space<vmem>>, vector<1x768xf32>
    %add3A_95 = vector.broadcast %get3A_94 : vector<1x768xf32> to vector<2048x768xf32>
    %add3A_96 = arith.addf %mul3A_91, %add3A_95 : vector<2048x768xf32>
    %swap3A = arith.constant 0 : index
    %swap3A_97 = arith.constant 0 : index
    %swap3A_98 = vector.load %arg9[%swap3A, %swap3A_97] : memref<2048x768xf32, #tpu.memory_space<vmem>>, vector<2048x768xf32>
    tpu.vector_store %arg9[%swap3A, %swap3A_97], %add3A_96 {strides = array<i32>} : memref<2048x768xf32, #tpu.memory_space<vmem>>, vector<2048x768xf32>,
    %get3A_99 = arith.constant 0 : index
    %get3A_100 = arith.constant 0 : index
    %get3A_101 = vector.load %arg7[%get3A_99, %get3A_100] : memref<768x64xf32, #tpu.memory_space<vmem>>, vector<768x64xf32>
    %dot_general3A_102 = arith.constant dense<0.000000e+00> : vector<2048x64xf32>
    %dot_general3A_103 = tpu.matmul %add3A_96, %get3A_101, %dot_general3A_102 {dimension_numbers = #tpu.dot_dimension_numbers<[1], [0], [0], [1], [0, 0, 1, 1], [], []>, transpose_lhs_hint = false} : vector<2048x768xf32>, vector<768x64xf32>, vector<2048x64xf32> -> vector<2048x64xf32>
    %get3A_104 = arith.constant 0 : index
    %get3A_105 = arith.constant 0 : index
    %get3A_106 = vector.load %arg8[%get3A_104, %get3A_105] : memref<1x64xf32, #tpu.memory_space<vmem>>, vector<1x64xf32>
    %add3A_107 = vector.broadcast %get3A_106 : vector<1x64xf32> to vector<2048x64xf32>
    %add3A_108 = arith.addf %dot_general3A_103, %add3A_107 : vector<2048x64xf32>
    %reduce_max3A = arith.constant dense<0xFF800000> : vector<2048xf32>
    %reduce_max3A_109 = vector.multi_reduction <maximumf>, %add3A_108, %reduce_max3A [1] : vector<2048x64xf32> to vector<2048xf32>
    %broadcast_in_dim3A_110 = vector.shape_cast %reduce_max3A_109 : vector<2048xf32> to vector<2048x1xf32>
    %sub3A_111 = vector.broadcast %broadcast_in_dim3A_110 : vector<2048x1xf32> to vector<2048x64xf32>
    %sub3A_112 = arith.subf %add3A_108, %sub3A_111 : vector<2048x64xf32>
    %exp3A = math.exp %sub3A_112 : vector<2048x64xf32>
    %reduce_sum3A_113 = arith.constant dense<0.000000e+00> : vector<2048xf32>
    %reduce_sum3A_114 = vector.multi_reduction <add>, %exp3A, %reduce_sum3A_113 [1] : vector<2048x64xf32> to vector<2048xf32>
    %broadcast_in_dim3A_115 = vector.shape_cast %reduce_sum3A_114 : vector<2048xf32> to vector<2048x1xf32>
    %div3A_116 = vector.broadcast %broadcast_in_dim3A_115 : vector<2048x1xf32> to vector<2048x64xf32>
    %div3A_117 = arith.divf %exp3A, %div3A_116 : vector<2048x64xf32>
    %reduce_sum3A_118 = arith.constant dense<0.000000e+00> : vector<64xf32>
    %reduce_sum3A_119 = vector.multi_reduction <add>, %div3A_117, %reduce_sum3A_118 [0] : vector<2048x64xf32> to vector<64xf32>
    %broadcast_in_dim3A_120 = vector.shape_cast %reduce_sum3A_119 : vector<64xf32> to vector<1x64xf32>
    %swap3A_121 = arith.constant 0 : index
    %swap3A_122 = arith.constant 0 : index
    %swap3A_123 = vector.load %arg10[%swap3A_121, %swap3A_122] : memref<1x64xf32, #tpu.memory_space<vmem>>, vector<1x64xf32>
    tpu.vector_store %arg10[%swap3A_121, %swap3A_122], %broadcast_in_dim3A_120 {strides = array<i32>} : memref<1x64xf32, #tpu.memory_space<vmem>>, vector<1x64xf32>,
    %reduce_max3A_124 = arith.constant dense<0xFF800000> : vector<2048xf32>
    %reduce_max3A_125 = vector.multi_reduction <maximumf>, %div3A_117, %reduce_max3A_124 [1] : vector<2048x64xf32> to vector<2048xf32>
    %broadcast_in_dim3A_126 = vector.shape_cast %reduce_max3A_125 : vector<2048xf32> to vector<2048x1xf32>
    %swap3A_127 = arith.constant 0 : index
    %swap3A_128 = arith.constant 0 : index
    %swap3A_129 = vector.load %arg12[%swap3A_127, %swap3A_128] : memref<2048x1xf32, #tpu.memory_space<vmem>>, vector<2048x1xf32>
    tpu.vector_store %arg12[%swap3A_127, %swap3A_128], %broadcast_in_dim3A_126 {strides = array<i32>} : memref<2048x1xf32, #tpu.memory_space<vmem>>, vector<2048x1xf32>,
    %argmax3A = tpu.reduce_index %div3A_117 {axis = 1 : i32, kind = #tpu.reduction_kind<arg_max>} : vector<2048x64xf32> -> vector<2048xi32>
    %iota3A = tpu.iota {dimensions = array<i32: 1>} : vector<2048x64xi32>
    %broadcast_in_dim3A_130 = vector.shape_cast %argmax3A : vector<2048xi32> to vector<2048x1xi32>
    %eq3A = vector.broadcast %broadcast_in_dim3A_130 : vector<2048x1xi32> to vector<2048x64xi32>
    %eq3A_131 = arith.cmpi eq, %iota3A, %eq3A : vector<2048x64xi32>
    %convert_element_type3A = arith.extui %eq3A_131 : vector<2048x64xi1> to vector<2048x64xi32>
    %convert_element_type3A_132 = arith.sitofp %convert_element_type3A : vector<2048x64xi32> to vector<2048x64xf32>
    %reduce_sum3A_133 = arith.constant dense<0.000000e+00> : vector<64xf32>
    %reduce_sum3A_134 = vector.multi_reduction <add>, %convert_element_type3A_132, %reduce_sum3A_133 [0] : vector<2048x64xf32> to vector<64xf32>
    %broadcast_in_dim3A_135 = vector.shape_cast %reduce_sum3A_134 : vector<64xf32> to vector<1x64xf32>
    %swap3A_136 = arith.constant 0 : index
    %swap3A_137 = arith.constant 0 : index
    %swap3A_138 = vector.load %arg11[%swap3A_136, %swap3A_137] : memref<1x64xf32, #tpu.memory_space<vmem>>, vector<1x64xf32>
    tpu.vector_store %arg11[%swap3A_136, %swap3A_137], %broadcast_in_dim3A_135 {strides = array<i32>} : memref<1x64xf32, #tpu.memory_space<vmem>>, vector<1x64xf32>,
    %iota3A_139 = tpu.iota {dimensions = array<i32: 0>} : vector<256x2048xi32>
    %add3A_140 = arith.constant 0 : i32
    %add3A_141 = vector.broadcast %add3A_140 : i32 to vector<256x2048xi32>
    %add3A_142 = arith.addi %add3A_141, %iota3A_139 : vector<256x2048xi32>
    %iota3A_143 = tpu.iota {dimensions = array<i32: 1>} : vector<256x2048xi32>
    %lt3A = arith.cmpi slt, %iota3A_143, %add3A_142 : vector<256x2048xi32>
    %convert_element_type3A_144 = arith.extui %lt3A : vector<256x2048xi1> to vector<256x2048xi32>
    %convert_element_type3A_145 = arith.sitofp %convert_element_type3A_144 : vector<256x2048xi32> to vector<256x2048xf32>
    %dot_general3A_146 = arith.constant dense<0.000000e+00> : vector<256x64xf32>
    %dot_general3A_147 = tpu.matmul %convert_element_type3A_145, %convert_element_type3A_132, %dot_general3A_146 {dimension_numbers = #tpu.dot_dimension_numbers<[1], [0], [0], [1], [0, 0, 1, 1], [], []>, transpose_lhs_hint = false} : vector<256x2048xf32>, vector<2048x64xf32>, vector<256x64xf32> -> vector<256x64xf32>
    %iota3A_148 = tpu.iota {dimensions = array<i32: 0>} : vector<256x2048xi32>
    %add3A_149 = arith.constant 256 : i32
    %add3A_150 = vector.broadcast %add3A_149 : i32 to vector<256x2048xi32>
    %add3A_151 = arith.addi %add3A_150, %iota3A_148 : vector<256x2048xi32>
    %iota3A_152 = tpu.iota {dimensions = array<i32: 1>} : vector<256x2048xi32>
    %lt3A_153 = arith.cmpi slt, %iota3A_152, %add3A_151 : vector<256x2048xi32>
    %convert_element_type3A_154 = arith.extui %lt3A_153 : vector<256x2048xi1> to vector<256x2048xi32>
    %convert_element_type3A_155 = arith.sitofp %convert_element_type3A_154 : vector<256x2048xi32> to vector<256x2048xf32>
    %dot_general3A_156 = arith.constant dense<0.000000e+00> : vector<256x64xf32>
    %dot_general3A_157 = tpu.matmul %convert_element_type3A_155, %convert_element_type3A_132, %dot_general3A_156 {dimension_numbers = #tpu.dot_dimension_numbers<[1], [0], [0], [1], [0, 0, 1, 1], [], []>, transpose_lhs_hint = false} : vector<256x2048xf32>, vector<2048x64xf32>, vector<256x64xf32> -> vector<256x64xf32>
    %iota3A_158 = tpu.iota {dimensions = array<i32: 0>} : vector<256x2048xi32>
    %add3A_159 = arith.constant 512 : i32
    %add3A_160 = vector.broadcast %add3A_159 : i32 to vector<256x2048xi32>
    %add3A_161 = arith.addi %add3A_160, %iota3A_158 : vector<256x2048xi32>
    %iota3A_162 = tpu.iota {dimensions = array<i32: 1>} : vector<256x2048xi32>
    %lt3A_163 = arith.cmpi slt, %iota3A_162, %add3A_161 : vector<256x2048xi32>
    %convert_element_type3A_164 = arith.extui %lt3A_163 : vector<256x2048xi1> to vector<256x2048xi32>
    %convert_element_type3A_165 = arith.sitofp %convert_element_type3A_164 : vector<256x2048xi32> to vector<256x2048xf32>
    %dot_general3A_166 = arith.constant dense<0.000000e+00> : vector<256x64xf32>
    %dot_general3A_167 = tpu.matmul %convert_element_type3A_165, %convert_element_type3A_132, %dot_general3A_166 {dimension_numbers = #tpu.dot_dimension_numbers<[1], [0], [0], [1], [0, 0, 1, 1], [], []>, transpose_lhs_hint = false} : vector<256x2048xf32>, vector<2048x64xf32>, vector<256x64xf32> -> vector<256x64xf32>
    %iota3A_168 = tpu.iota {dimensions = array<i32: 0>} : vector<256x2048xi32>
    %add3A_169 = arith.constant 768 : i32
    %add3A_170 = vector.broadcast %add3A_169 : i32 to vector<256x2048xi32>
    %add3A_171 = arith.addi %add3A_170, %iota3A_168 : vector<256x2048xi32>
    %iota3A_172 = tpu.iota {dimensions = array<i32: 1>} : vector<256x2048xi32>
    %lt3A_173 = arith.cmpi slt, %iota3A_172, %add3A_171 : vector<256x2048xi32>
    %convert_element_type3A_174 = arith.extui %lt3A_173 : vector<256x2048xi1> to vector<256x2048xi32>
    %convert_element_type3A_175 = arith.sitofp %convert_element_type3A_174 : vector<256x2048xi32> to vector<256x2048xf32>
    %dot_general3A_176 = arith.constant dense<0.000000e+00> : vector<256x64xf32>
    %dot_general3A_177 = tpu.matmul %convert_element_type3A_175, %convert_element_type3A_132, %dot_general3A_176 {dimension_numbers = #tpu.dot_dimension_numbers<[1], [0], [0], [1], [0, 0, 1, 1], [], []>, transpose_lhs_hint = false} : vector<256x2048xf32>, vector<2048x64xf32>, vector<256x64xf32> -> vector<256x64xf32>
    %iota3A_178 = tpu.iota {dimensions = array<i32: 0>} : vector<256x2048xi32>
    %add3A_179 = arith.constant 1024 : i32
    %add3A_180 = vector.broadcast %add3A_179 : i32 to vector<256x2048xi32>
    %add3A_181 = arith.addi %add3A_180, %iota3A_178 : vector<256x2048xi32>
    %iota3A_182 = tpu.iota {dimensions = array<i32: 1>} : vector<256x2048xi32>
    %lt3A_183 = arith.cmpi slt, %iota3A_182, %add3A_181 : vector<256x2048xi32>
    %convert_element_type3A_184 = arith.extui %lt3A_183 : vector<256x2048xi1> to vector<256x2048xi32>
    %convert_element_type3A_185 = arith.sitofp %convert_element_type3A_184 : vector<256x2048xi32> to vector<256x2048xf32>
    %dot_general3A_186 = arith.constant dense<0.000000e+00> : vector<256x64xf32>
    %dot_general3A_187 = tpu.matmul %convert_element_type3A_185, %convert_element_type3A_132, %dot_general3A_186 {dimension_numbers = #tpu.dot_dimension_numbers<[1], [0], [0], [1], [0, 0, 1, 1], [], []>, transpose_lhs_hint = false} : vector<256x2048xf32>, vector<2048x64xf32>, vector<256x64xf32> -> vector<256x64xf32>
    %iota3A_188 = tpu.iota {dimensions = array<i32: 0>} : vector<256x2048xi32>
    %add3A_189 = arith.constant 1280 : i32
    %add3A_190 = vector.broadcast %add3A_189 : i32 to vector<256x2048xi32>
    %add3A_191 = arith.addi %add3A_190, %iota3A_188 : vector<256x2048xi32>
    %iota3A_192 = tpu.iota {dimensions = array<i32: 1>} : vector<256x2048xi32>
    %lt3A_193 = arith.cmpi slt, %iota3A_192, %add3A_191 : vector<256x2048xi32>
    %convert_element_type3A_194 = arith.extui %lt3A_193 : vector<256x2048xi1> to vector<256x2048xi32>
    %convert_element_type3A_195 = arith.sitofp %convert_element_type3A_194 : vector<256x2048xi32> to vector<256x2048xf32>
    %dot_general3A_196 = arith.constant dense<0.000000e+00> : vector<256x64xf32>
    %dot_general3A_197 = tpu.matmul %convert_element_type3A_195, %convert_element_type3A_132, %dot_general3A_196 {dimension_numbers = #tpu.dot_dimension_numbers<[1], [0], [0], [1], [0, 0, 1, 1], [], []>, transpose_lhs_hint = false} : vector<256x2048xf32>, vector<2048x64xf32>, vector<256x64xf32> -> vector<256x64xf32>
    %iota3A_198 = tpu.iota {dimensions = array<i32: 0>} : vector<256x2048xi32>
    %add3A_199 = arith.constant 1536 : i32
    %add3A_200 = vector.broadcast %add3A_199 : i32 to vector<256x2048xi32>
    %add3A_201 = arith.addi %add3A_200, %iota3A_198 : vector<256x2048xi32>
    %iota3A_202 = tpu.iota {dimensions = array<i32: 1>} : vector<256x2048xi32>
    %lt3A_203 = arith.cmpi slt, %iota3A_202, %add3A_201 : vector<256x2048xi32>
    %convert_element_type3A_204 = arith.extui %lt3A_203 : vector<256x2048xi1> to vector<256x2048xi32>
    %convert_element_type3A_205 = arith.sitofp %convert_element_type3A_204 : vector<256x2048xi32> to vector<256x2048xf32>
    %dot_general3A_206 = arith.constant dense<0.000000e+00> : vector<256x64xf32>
    %dot_general3A_207 = tpu.matmul %convert_element_type3A_205, %convert_element_type3A_132, %dot_general3A_206 {dimension_numbers = #tpu.dot_dimension_numbers<[1], [0], [0], [1], [0, 0, 1, 1], [], []>, transpose_lhs_hint = false} : vector<256x2048xf32>, vector<2048x64xf32>, vector<256x64xf32> -> vector<256x64xf32>
    %iota3A_208 = tpu.iota {dimensions = array<i32: 0>} : vector<256x2048xi32>
    %add3A_209 = arith.constant 1792 : i32
    %add3A_210 = vector.broadcast %add3A_209 : i32 to vector<256x2048xi32>
    %add3A_211 = arith.addi %add3A_210, %iota3A_208 : vector<256x2048xi32>
    %iota3A_212 = tpu.iota {dimensions = array<i32: 1>} : vector<256x2048xi32>
    %lt3A_213 = arith.cmpi slt, %iota3A_212, %add3A_211 : vector<256x2048xi32>
    %convert_element_type3A_214 = arith.extui %lt3A_213 : vector<256x2048xi1> to vector<256x2048xi32>
    %convert_element_type3A_215 = arith.sitofp %convert_element_type3A_214 : vector<256x2048xi32> to vector<256x2048xf32>
    %dot_general3A_216 = arith.constant dense<0.000000e+00> : vector<256x64xf32>
    %dot_general3A_217 = tpu.matmul %convert_element_type3A_215, %convert_element_type3A_132, %dot_general3A_216 {dimension_numbers = #tpu.dot_dimension_numbers<[1], [0], [0], [1], [0, 0, 1, 1], [], []>, transpose_lhs_hint = false} : vector<256x2048xf32>, vector<2048x64xf32>, vector<256x64xf32> -> vector<256x64xf32>
    %concatenate3A_218 = tpu.concatenate %dot_general3A_147, %dot_general3A_157, %dot_general3A_167, %dot_general3A_177, %dot_general3A_187, %dot_general3A_197, %dot_general3A_207, %dot_general3A_217 in 0 : vector<256x64xf32>, vector<256x64xf32>, vector<256x64xf32>, vector<256x64xf32>, vector<256x64xf32>, vector<256x64xf32>, vector<256x64xf32>, vector<256x64xf32> -> vector<2048x64xf32>
    %mul3A_219 = arith.mulf %concatenate3A_218, %convert_element_type3A_132 : vector<2048x64xf32>
    %reduce_sum3A_220 = arith.constant dense<0.000000e+00> : vector<2048xf32>
    %reduce_sum3A_221 = vector.multi_reduction <add>, %mul3A_219, %reduce_sum3A_220 [1] : vector<2048x64xf32> to vector<2048xf32>
    %broadcast_in_dim3A_222 = vector.shape_cast %reduce_sum3A_221 : vector<2048xf32> to vector<2048x1xf32>
    %div3A_223 = arith.constant 6.400000e+01 : f32
    %div3A_224 = vector.broadcast %div3A_223 : f32 to vector<1x64xf32>
    %div3A_225 = arith.divf %broadcast_in_dim3A_135, %div3A_224 : vector<1x64xf32>
    %ceil3A = math.ceil %div3A_225 : vector<1x64xf32>
    %mul3A_226 = arith.constant 6.400000e+01 : f32
    %mul3A_227 = vector.broadcast %mul3A_226 : f32 to vector<1x64xf32>
    %mul3A_228 = arith.mulf %ceil3A, %mul3A_227 : vector<1x64xf32>
    %iota3A_229 = tpu.iota {dimensions = array<i32: 0>} : vector<64x64xi32>
    %iota3A_230 = tpu.iota {dimensions = array<i32: 1>} : vector<64x64xi32>
    %lt3A_231 = arith.cmpi slt, %iota3A_229, %iota3A_230 : vector<64x64xi32>
    %convert_element_type3A_232 = arith.extui %lt3A_231 : vector<64x64xi1> to vector<64x64xi32>
    %convert_element_type3A_233 = arith.sitofp %convert_element_type3A_232 : vector<64x64xi32> to vector<64x64xf32>
    %dot_general3A_234 = arith.constant dense<0.000000e+00> : vector<1x64xf32>
    %dot_general3A_235 = tpu.matmul %mul3A_228, %convert_element_type3A_233, %dot_general3A_234 {dimension_numbers = #tpu.dot_dimension_numbers<[1], [0], [0], [1], [0, 0, 1, 1], [], []>, transpose_lhs_hint = false} : vector<1x64xf32>, vector<64x64xf32>, vector<1x64xf32> -> vector<1x64xf32>
    %mul3A_236 = vector.broadcast %dot_general3A_235 : vector<1x64xf32> to vector<2048x64xf32>
    %mul3A_237 = arith.mulf %mul3A_236, %convert_element_type3A_132 : vector<2048x64xf32>
    %reduce_sum3A_238 = arith.constant dense<0.000000e+00> : vector<2048xf32>
    %reduce_sum3A_239 = vector.multi_reduction <add>, %mul3A_237, %reduce_sum3A_238 [1] : vector<2048x64xf32> to vector<2048xf32>
    %broadcast_in_dim3A_240 = vector.shape_cast %reduce_sum3A_239 : vector<2048xf32> to vector<2048x1xf32>
    %add3A_241 = arith.addf %broadcast_in_dim3A_240, %broadcast_in_dim3A_222 : vector<2048x1xf32>
    %convert_element_type3A_242 = arith.fptosi %add3A_241 : vector<2048x1xf32> to vector<2048x1xi32>
    %swap3A_243 = arith.constant 0 : index
    %swap3A_244 = arith.constant 0 : index
    %swap3A_245 = vector.load %arg13[%swap3A_243, %swap3A_244] : memref<2048x1xi32, #tpu.memory_space<vmem>>, vector<2048x1xi32>
    tpu.vector_store %arg13[%swap3A_243, %swap3A_244], %convert_element_type3A_242 {strides = array<i32>} : memref<2048x1xi32, #tpu.memory_space<vmem>>, vector<2048x1xi32>,
    %iota3A_246 = tpu.iota {dimensions = array<i32: 0>} : vector<96x64xi32>
    %mul3A_247 = arith.constant 64 : i32
    %mul3A_248 = vector.broadcast %mul3A_247 : i32 to vector<96x64xi32>
    %mul3A_249 = arith.muli %iota3A_246, %mul3A_248 : vector<96x64xi32>
    %convert_element_type3A_250 = arith.sitofp %mul3A_249 : vector<96x64xi32> to vector<96x64xf32>
    %le3A = vector.broadcast %dot_general3A_235 : vector<1x64xf32> to vector<96x64xf32>
    %le3A_251 = arith.cmpf ole, %le3A, %convert_element_type3A_250 : vector<96x64xf32>
    %convert_element_type3A_252 = arith.extui %le3A_251 : vector<96x64xi1> to vector<96x64xi32>
    %reduce_sum3A_253 = arith.constant dense<0> : vector<96xi32>
    %reduce_sum3A_254 = vector.multi_reduction <add>, %convert_element_type3A_252, %reduce_sum3A_253 [1] : vector<96x64xi32> to vector<96xi32>
    %broadcast_in_dim3A_255 = vector.shape_cast %reduce_sum3A_254 : vector<96xi32> to vector<96x1xi32>
    %sub3A_256 = arith.constant 1 : i32
    %sub3A_257 = vector.broadcast %sub3A_256 : i32 to vector<96x1xi32>
    %sub3A_258 = arith.subi %broadcast_in_dim3A_255, %sub3A_257 : vector<96x1xi32>
    %reduce_sum3A_259 = arith.constant dense<0.000000e+00> : vector<1xf32>
    %reduce_sum3A_260 = vector.multi_reduction <add>, %mul3A_228, %reduce_sum3A_259 [1] : vector<1x64xf32> to vector<1xf32>
    %broadcast_in_dim3A_261 = vector.shape_cast %reduce_sum3A_260 : vector<1xf32> to vector<1x1xf32>
    %div3A_262 = arith.constant 6.400000e+01 : f32
    %div3A_263 = vector.broadcast %div3A_262 : f32 to vector<1x1xf32>
    %div3A_264 = arith.divf %broadcast_in_dim3A_261, %div3A_263 : vector<1x1xf32>
    %convert_element_type3A_265 = arith.fptosi %div3A_264 : vector<1x1xf32> to vector<1x1xi32>
    %concatenate3A_266 = tpu.concatenate %sub3A_258, %convert_element_type3A_265 in 0 : vector<96x1xi32>, vector<1x1xi32> -> vector<97x1xi32>
    %swap3A_267 = arith.constant 0 : index
    %swap3A_268 = arith.constant 0 : index
    %swap3A_269 = vector.load %arg14[%swap3A_267, %swap3A_268] : memref<97x1xi32, #tpu.memory_space<vmem>>, vector<97x1xi32>
    tpu.vector_store %arg14[%swap3A_267, %swap3A_268], %concatenate3A_266 {strides = array<i32>} : memref<97x1xi32, #tpu.memory_space<vmem>>, vector<97x1xi32>,
    return
  }
  func.func @transform_0(%arg0: i32) -> (i32, i32) {
    %c0_i32 = arith.constant 0 : i32
    %c0_i32_0 = arith.constant 0 : i32
    %c0_i32_1 = arith.constant 0 : i32
    return %c0_i32, %c0_i32_0 : i32, i32
  }
  func.func @transform_1(%arg0: i32) -> (i32, i32, i32) {
    %c0_i32 = arith.constant 0 : i32
    %c0_i32_0 = arith.constant 0 : i32
    %c0_i32_1 = arith.constant 0 : i32
    %c0_i32_2 = arith.constant 0 : i32
    return %c0_i32, %c0_i32_0, %c0_i32_1 : i32, i32, i32
  }
  func.func @transform_2(%arg0: i32) -> (i32, i32) {
    %c0_i32 = arith.constant 0 : i32
    %c0_i32_0 = arith.constant 0 : i32
    %c0_i32_1 = arith.constant 0 : i32
    return %c0_i32, %c0_i32_0 : i32, i32
  }
  func.func @transform_3(%arg0: i32) -> (i32, i32) {
    %c0_i32 = arith.constant 0 : i32
    %c0_i32_0 = arith.constant 0 : i32
    %c0_i32_1 = arith.constant 0 : i32
    return %c0_i32, %c0_i32_0 : i32, i32
  }
  func.func @transform_4(%arg0: i32) -> (i32, i32) {
    %c0_i32 = arith.constant 0 : i32
    %c0_i32_0 = arith.constant 0 : i32
    %c0_i32_1 = arith.constant 0 : i32
    return %c0_i32, %c0_i32_0 : i32, i32
  }
  func.func @transform_5(%arg0: i32) -> (i32, i32) {
    %c0_i32 = arith.constant 0 : i32
    %c0_i32_0 = arith.constant 0 : i32
    %c0_i32_1 = arith.constant 0 : i32
    return %c0_i32, %c0_i32_0 : i32, i32
  }
  func.func @transform_6(%arg0: i32) -> (i32, i32) {
    %c0_i32 = arith.constant 0 : i32
    %c0_i32_0 = arith.constant 0 : i32
    %c0_i32_1 = arith.constant 0 : i32
    return %c0_i32, %c0_i32_0 : i32, i32
  }
  func.func @transform_7(%arg0: i32) -> (i32, i32) {
    %c0_i32 = arith.constant 0 : i32
    %c0_i32_0 = arith.constant 0 : i32
    %c0_i32_1 = arith.constant 0 : i32
    return %c0_i32, %c0_i32_0 : i32, i32
  }
  func.func @transform_8(%arg0: i32) -> (i32, i32) {
    %c0_i32 = arith.constant 0 : i32
    %c0_i32_0 = arith.constant 0 : i32
    %c0_i32_1 = arith.constant 0 : i32
    return %c0_i32, %c0_i32_0 : i32, i32
  }
  func.func @transform_9(%arg0: i32) -> (i32, i32) {
    %c0_i32 = arith.constant 0 : i32
    %c0_i32_0 = arith.constant 0 : i32
    %c0_i32_1 = arith.constant 0 : i32
    return %c0_i32, %c0_i32_0 : i32, i32
  }
  func.func @transform_10(%arg0: i32) -> (i32, i32) {
    %c0_i32 = arith.constant 0 : i32
    %c0_i32_0 = arith.constant 0 : i32
    %c0_i32_1 = arith.constant 0 : i32
    return %c0_i32, %c0_i32_0 : i32, i32
  }
  func.func @transform_11(%arg0: i32) -> (i32, i32) {
    %c0_i32 = arith.constant 0 : i32
    %c0_i32_0 = arith.constant 0 : i32
    %c0_i32_1 = arith.constant 0 : i32
    return %c0_i32, %c0_i32_0 : i32, i32
  }
  func.func @transform_12(%arg0: i32) -> (i32, i32) {
    %c0_i32 = arith.constant 0 : i32
    %c0_i32_0 = arith.constant 0 : i32
    %c0_i32_1 = arith.constant 0 : i32
    return %c0_i32, %c0_i32_0 : i32, i32
  }
  func.func @transform_13(%arg0: i32) -> (i32, i32) {
    %c0_i32 = arith.constant 0 : i32
    %c0_i32_0 = arith.constant 0 : i32
    %c0_i32_1 = arith.constant 0 : i32
    return %c0_i32, %c0_i32_0 : i32, i32
  }
}

module attributes {stable_mosaic.version = 14 : i64} {
  func.func @_attn_body(%arg0: i32, %arg1: memref<2048x768xf32, #tpu.memory_space<vmem>>, %arg2: memref<1x768x64xf32, #tpu.memory_space<vmem>>, %arg3: memref<1x768x64xf32, #tpu.memory_space<vmem>>, %arg4: memref<1x768x64xf32, #tpu.memory_space<vmem>>, %arg5: memref<1x1x64xf32, #tpu.memory_space<vmem>>, %arg6: memref<1x1x64xf32, #tpu.memory_space<vmem>>, %arg7: memref<1x1x64xf32, #tpu.memory_space<vmem>>, %arg8: memref<1x2048x64xf32, #tpu.memory_space<vmem>>) attributes {dimension_semantics = [#tpu.dimension_semantics<arbitrary>], iteration_bounds = array<i64: 12>, scalar_prefetch = 0 : i64, scratch_operands = 0 : i64, tpu.core_type = #tpu.core_type<tc>, window_params = [{pipeline_mode = #tpu.pipeline_mode<synchronous>, transform_indices = @transform_0, window_bounds = array<i64: 2048, 768>}, {transform_indices = @transform_1, window_bounds = array<i64: 1, 768, 64>}, {transform_indices = @transform_2, window_bounds = array<i64: 1, 768, 64>}, {transform_indices = @transform_3, window_bounds = array<i64: 1, 768, 64>}, {transform_indices = @transform_4, window_bounds = array<i64: 1, 1, 64>}, {transform_indices = @transform_5, window_bounds = array<i64: 1, 1, 64>}, {transform_indices = @transform_6, window_bounds = array<i64: 1, 1, 64>}, {transform_indices = @transform_7, window_bounds = array<i64: 1, 2048, 64>}]} {
    %get3A = arith.constant 0 : index
    %get3A_0 = arith.constant 0 : index
    %get3A_1 = vector.load %arg1[%get3A, %get3A_0] : memref<2048x768xf32, #tpu.memory_space<vmem>>, vector<2048x768xf32>
    %get3A_2 = arith.constant 0 : index
    %get3A_3 = arith.constant 0 : index
    %get3A_4 = arith.constant 0 : index
    %get3A_5 = vector.load %arg2[%get3A_2, %get3A_3, %get3A_4] : memref<1x768x64xf32, #tpu.memory_space<vmem>>, vector<1x768x64xf32>
    %get3A_6 = vector.shape_cast %get3A_5 : vector<1x768x64xf32> to vector<768x64xf32>
    %dot_general3A = arith.constant dense<0.000000e+00> : vector<2048x64xf32>
    %dot_general3A_7 = tpu.matmul %get3A_1, %get3A_6, %dot_general3A {dimension_numbers = #tpu.dot_dimension_numbers<[1], [0], [0], [1], [0, 0, 1, 1], [], []>, transpose_lhs_hint = false} : vector<2048x768xf32>, vector<768x64xf32>, vector<2048x64xf32> -> vector<2048x64xf32>
    %get3A_8 = arith.constant 0 : index
    %get3A_9 = arith.constant 0 : index
    %get3A_10 = arith.constant 0 : index
    %get3A_11 = vector.load %arg5[%get3A_8, %get3A_9, %get3A_10] : memref<1x1x64xf32, #tpu.memory_space<vmem>>, vector<1x1x64xf32>
    %get3A_12 = vector.shape_cast %get3A_11 : vector<1x1x64xf32> to vector<1x64xf32>
    %add3A = vector.broadcast %get3A_12 : vector<1x64xf32> to vector<2048x64xf32>
    %add3A_13 = arith.addf %dot_general3A_7, %add3A : vector<2048x64xf32>
    %get3A_14 = arith.constant 0 : index
    %get3A_15 = arith.constant 0 : index
    %get3A_16 = arith.constant 0 : index
    %get3A_17 = vector.load %arg3[%get3A_14, %get3A_15, %get3A_16] : memref<1x768x64xf32, #tpu.memory_space<vmem>>, vector<1x768x64xf32>
    %get3A_18 = vector.shape_cast %get3A_17 : vector<1x768x64xf32> to vector<768x64xf32>
    %dot_general3A_19 = arith.constant dense<0.000000e+00> : vector<2048x64xf32>
    %dot_general3A_20 = tpu.matmul %get3A_1, %get3A_18, %dot_general3A_19 {dimension_numbers = #tpu.dot_dimension_numbers<[1], [0], [0], [1], [0, 0, 1, 1], [], []>, transpose_lhs_hint = false} : vector<2048x768xf32>, vector<768x64xf32>, vector<2048x64xf32> -> vector<2048x64xf32>
    %get3A_21 = arith.constant 0 : index
    %get3A_22 = arith.constant 0 : index
    %get3A_23 = arith.constant 0 : index
    %get3A_24 = vector.load %arg6[%get3A_21, %get3A_22, %get3A_23] : memref<1x1x64xf32, #tpu.memory_space<vmem>>, vector<1x1x64xf32>
    %get3A_25 = vector.shape_cast %get3A_24 : vector<1x1x64xf32> to vector<1x64xf32>
    %add3A_26 = vector.broadcast %get3A_25 : vector<1x64xf32> to vector<2048x64xf32>
    %add3A_27 = arith.addf %dot_general3A_20, %add3A_26 : vector<2048x64xf32>
    %get3A_28 = arith.constant 0 : index
    %get3A_29 = arith.constant 0 : index
    %get3A_30 = arith.constant 0 : index
    %get3A_31 = vector.load %arg4[%get3A_28, %get3A_29, %get3A_30] : memref<1x768x64xf32, #tpu.memory_space<vmem>>, vector<1x768x64xf32>
    %get3A_32 = vector.shape_cast %get3A_31 : vector<1x768x64xf32> to vector<768x64xf32>
    %dot_general3A_33 = arith.constant dense<0.000000e+00> : vector<2048x64xf32>
    %dot_general3A_34 = tpu.matmul %get3A_1, %get3A_32, %dot_general3A_33 {dimension_numbers = #tpu.dot_dimension_numbers<[1], [0], [0], [1], [0, 0, 1, 1], [], []>, transpose_lhs_hint = false} : vector<2048x768xf32>, vector<768x64xf32>, vector<2048x64xf32> -> vector<2048x64xf32>
    %get3A_35 = arith.constant 0 : index
    %get3A_36 = arith.constant 0 : index
    %get3A_37 = arith.constant 0 : index
    %get3A_38 = vector.load %arg7[%get3A_35, %get3A_36, %get3A_37] : memref<1x1x64xf32, #tpu.memory_space<vmem>>, vector<1x1x64xf32>
    %get3A_39 = vector.shape_cast %get3A_38 : vector<1x1x64xf32> to vector<1x64xf32>
    %add3A_40 = vector.broadcast %get3A_39 : vector<1x64xf32> to vector<2048x64xf32>
    %add3A_41 = arith.addf %dot_general3A_34, %add3A_40 : vector<2048x64xf32>
    %dot_general3A_42 = arith.constant dense<0.000000e+00> : vector<2048x2048xf32>
    %dot_general3A_43 = tpu.matmul %add3A_13, %add3A_27, %dot_general3A_42 {dimension_numbers = #tpu.dot_dimension_numbers<[1], [1], [0], [0], [0, 0, 1, 0], [], []>, transpose_lhs_hint = false} : vector<2048x64xf32>, vector<2048x64xf32>, vector<2048x2048xf32> -> vector<2048x2048xf32>
    %mul3A = arith.constant 1.250000e-01 : f32
    %mul3A_44 = vector.broadcast %mul3A : f32 to vector<2048x2048xf32>
    %mul3A_45 = arith.mulf %dot_general3A_43, %mul3A_44 : vector<2048x2048xf32>
    %exp3A = math.exp %mul3A_45 : vector<2048x2048xf32>
    %reduce_sum3A = arith.constant dense<0.000000e+00> : vector<2048xf32>
    %reduce_sum3A_46 = vector.multi_reduction <add>, %exp3A, %reduce_sum3A [1] : vector<2048x2048xf32> to vector<2048xf32>
    %broadcast_in_dim3A = vector.shape_cast %reduce_sum3A_46 : vector<2048xf32> to vector<2048x1xf32>
    %div3A = arith.constant 1.000000e+00 : f32
    %div3A_47 = vector.broadcast %div3A : f32 to vector<2048x1xf32>
    %div3A_48 = arith.divf %div3A_47, %broadcast_in_dim3A : vector<2048x1xf32>
    %dot_general3A_49 = arith.constant dense<0.000000e+00> : vector<2048x64xf32>
    %dot_general3A_50 = tpu.matmul %exp3A, %add3A_41, %dot_general3A_49 {dimension_numbers = #tpu.dot_dimension_numbers<[1], [0], [0], [1], [0, 0, 1, 1], [], []>, transpose_lhs_hint = false} : vector<2048x2048xf32>, vector<2048x64xf32>, vector<2048x64xf32> -> vector<2048x64xf32>
    %mul3A_51 = vector.broadcast %div3A_48 : vector<2048x1xf32> to vector<2048x64xf32>
    %mul3A_52 = arith.mulf %dot_general3A_50, %mul3A_51 : vector<2048x64xf32>
    %swap3A = arith.constant 0 : index
    %swap3A_53 = arith.constant 0 : index
    %swap3A_54 = arith.constant 0 : index
    %swap3A_55 = vector.load %arg8[%swap3A, %swap3A_53, %swap3A_54] : memref<1x2048x64xf32, #tpu.memory_space<vmem>>, vector<1x2048x64xf32>
    %swap3A_56 = vector.shape_cast %swap3A_55 : vector<1x2048x64xf32> to vector<2048x64xf32>
    %swap3A_57 = vector.shape_cast %mul3A_52 : vector<2048x64xf32> to vector<1x2048x64xf32>
    tpu.vector_store %arg8[%swap3A, %swap3A_53, %swap3A_54], %swap3A_57 {strides = array<i32>} : memref<1x2048x64xf32, #tpu.memory_space<vmem>>, vector<1x2048x64xf32>,
    return
  }
  func.func @transform_0(%arg0: i32) -> (i32, i32) {
    %c0_i32 = arith.constant 0 : i32
    %c0_i32_0 = arith.constant 0 : i32
    %c0_i32_1 = arith.constant 0 : i32
    return %c0_i32, %c0_i32_0 : i32, i32
  }
  func.func @transform_1(%arg0: i32) -> (i32, i32, i32) {
    %c0_i32 = arith.constant 0 : i32
    %c0_i32_0 = arith.constant 0 : i32
    %c0_i32_1 = arith.constant 0 : i32
    return %arg0, %c0_i32, %c0_i32_0 : i32, i32, i32
  }
  func.func @transform_2(%arg0: i32) -> (i32, i32, i32) {
    %c0_i32 = arith.constant 0 : i32
    %c0_i32_0 = arith.constant 0 : i32
    %c0_i32_1 = arith.constant 0 : i32
    return %arg0, %c0_i32, %c0_i32_0 : i32, i32, i32
  }
  func.func @transform_3(%arg0: i32) -> (i32, i32, i32) {
    %c0_i32 = arith.constant 0 : i32
    %c0_i32_0 = arith.constant 0 : i32
    %c0_i32_1 = arith.constant 0 : i32
    return %arg0, %c0_i32, %c0_i32_0 : i32, i32, i32
  }
  func.func @transform_4(%arg0: i32) -> (i32, i32, i32) {
    %c0_i32 = arith.constant 0 : i32
    %c0_i32_0 = arith.constant 0 : i32
    %c0_i32_1 = arith.constant 0 : i32
    return %arg0, %c0_i32, %c0_i32_0 : i32, i32, i32
  }
  func.func @transform_5(%arg0: i32) -> (i32, i32, i32) {
    %c0_i32 = arith.constant 0 : i32
    %c0_i32_0 = arith.constant 0 : i32
    %c0_i32_1 = arith.constant 0 : i32
    return %arg0, %c0_i32, %c0_i32_0 : i32, i32, i32
  }
  func.func @transform_6(%arg0: i32) -> (i32, i32, i32) {
    %c0_i32 = arith.constant 0 : i32
    %c0_i32_0 = arith.constant 0 : i32
    %c0_i32_1 = arith.constant 0 : i32
    return %arg0, %c0_i32, %c0_i32_0 : i32, i32, i32
  }
  func.func @transform_7(%arg0: i32) -> (i32, i32, i32) {
    %c0_i32 = arith.constant 0 : i32
    %c0_i32_0 = arith.constant 0 : i32
    %c0_i32_1 = arith.constant 0 : i32
    return %arg0, %c0_i32, %c0_i32_0 : i32, i32, i32
  }
}

module attributes {stable_mosaic.version = 14 : i64} {
  func.func @_gemm_body(%arg0: i32, %arg1: memref<97xi32, #tpu.memory_space<smem>>, %arg2: memref<64x768xf32, #tpu.memory_space<vmem>>, %arg3: memref<1x768x2048xf32, #tpu.memory_space<vmem>>, %arg4: memref<1x1x2048xf32, #tpu.memory_space<vmem>>, %arg5: memref<1x2048x768xf32, #tpu.memory_space<vmem>>, %arg6: memref<1x1x768xf32, #tpu.memory_space<vmem>>, %arg7: memref<64x768xf32, #tpu.memory_space<vmem>>) attributes {dimension_semantics = [#tpu.dimension_semantics<arbitrary>], iteration_bounds = array<i64: 96>, scalar_prefetch = 1 : i64, scratch_operands = 0 : i64, tpu.core_type = #tpu.core_type<tc>, window_params = [{transform_indices = @transform_0, window_bounds = array<i64: 64, 768>}, {transform_indices = @transform_1, window_bounds = array<i64: 1, 768, 2048>}, {transform_indices = @transform_2, window_bounds = array<i64: 1, 1, 2048>}, {transform_indices = @transform_3, window_bounds = array<i64: 1, 2048, 768>}, {transform_indices = @transform_4, window_bounds = array<i64: 1, 1, 768>}, {transform_indices = @transform_5, window_bounds = array<i64: 64, 768>}]} {
    %get3A = arith.constant 96 : index
    %get3A_0 = memref.load %arg1[%get3A] : memref<97xi32, #tpu.memory_space<smem>>
    %lt3A = arith.cmpi slt, %arg0, %get3A_0 : i32
    %convert_element_type3A = arith.extui %lt3A : i1 to i32
    %cond3A = arith.constant 0 : i32
    %cond3A_1 = arith.cmpi ne, %convert_element_type3A, %cond3A : i32
    scf.if %cond3A_1 {
      %get3A_2 = arith.constant 0 : index
      %get3A_3 = arith.constant 0 : index
      %get3A_4 = vector.load %arg2[%get3A_2, %get3A_3] : memref<64x768xf32, #tpu.memory_space<vmem>>, vector<64x768xf32>
      %get3A_5 = arith.constant 0 : index
      %get3A_6 = arith.constant 0 : index
      %get3A_7 = arith.constant 0 : index
      %get3A_8 = vector.load %arg3[%get3A_5, %get3A_6, %get3A_7] : memref<1x768x2048xf32, #tpu.memory_space<vmem>>, vector<1x768x2048xf32>
      %get3A_9 = vector.shape_cast %get3A_8 : vector<1x768x2048xf32> to vector<768x2048xf32>
      %dot_general3A = arith.constant dense<0.000000e+00> : vector<64x2048xf32>
      %dot_general3A_10 = tpu.matmul %get3A_4, %get3A_9, %dot_general3A {dimension_numbers = #tpu.dot_dimension_numbers<[1], [0], [0], [1], [0, 0, 1, 1], [], []>, transpose_lhs_hint = false} : vector<64x768xf32>, vector<768x2048xf32>, vector<64x2048xf32> -> vector<64x2048xf32>
      %get3A_11 = arith.constant 0 : index
      %get3A_12 = arith.constant 0 : index
      %get3A_13 = arith.constant 0 : index
      %get3A_14 = vector.load %arg4[%get3A_11, %get3A_12, %get3A_13] : memref<1x1x2048xf32, #tpu.memory_space<vmem>>, vector<1x1x2048xf32>
      %get3A_15 = vector.shape_cast %get3A_14 : vector<1x1x2048xf32> to vector<1x2048xf32>
      %add3A = vector.broadcast %get3A_15 : vector<1x2048xf32> to vector<64x2048xf32>
      %add3A_16 = arith.addf %dot_general3A_10, %add3A : vector<64x2048xf32>
      %max3A = arith.constant 0.000000e+00 : f32
      %max3A_17 = vector.broadcast %max3A : f32 to vector<64x2048xf32>
      %max3A_18 = arith.maximumf %add3A_16, %max3A_17 : vector<64x2048xf32>
      %get3A_19 = arith.constant 0 : index
      %get3A_20 = arith.constant 0 : index
      %get3A_21 = arith.constant 0 : index
      %get3A_22 = vector.load %arg5[%get3A_19, %get3A_20, %get3A_21] : memref<1x2048x768xf32, #tpu.memory_space<vmem>>, vector<1x2048x768xf32>
      %get3A_23 = vector.shape_cast %get3A_22 : vector<1x2048x768xf32> to vector<2048x768xf32>
      %dot_general3A_24 = arith.constant dense<0.000000e+00> : vector<64x768xf32>
      %dot_general3A_25 = tpu.matmul %max3A_18, %get3A_23, %dot_general3A_24 {dimension_numbers = #tpu.dot_dimension_numbers<[1], [0], [0], [1], [0, 0, 1, 1], [], []>, transpose_lhs_hint = false} : vector<64x2048xf32>, vector<2048x768xf32>, vector<64x768xf32> -> vector<64x768xf32>
      %get3A_26 = arith.constant 0 : index
      %get3A_27 = arith.constant 0 : index
      %get3A_28 = arith.constant 0 : index
      %get3A_29 = vector.load %arg6[%get3A_26, %get3A_27, %get3A_28] : memref<1x1x768xf32, #tpu.memory_space<vmem>>, vector<1x1x768xf32>
      %get3A_30 = vector.shape_cast %get3A_29 : vector<1x1x768xf32> to vector<1x768xf32>
      %add3A_31 = vector.broadcast %get3A_30 : vector<1x768xf32> to vector<64x768xf32>
      %add3A_32 = arith.addf %dot_general3A_25, %add3A_31 : vector<64x768xf32>
      %swap3A = arith.constant 0 : index
      %swap3A_33 = arith.constant 0 : index
      %swap3A_34 = vector.load %arg7[%swap3A, %swap3A_33] : memref<64x768xf32, #tpu.memory_space<vmem>>, vector<64x768xf32>
      tpu.vector_store %arg7[%swap3A, %swap3A_33], %add3A_32 {strides = array<i32>} : memref<64x768xf32, #tpu.memory_space<vmem>>, vector<64x768xf32>,
    } else {
    }
    return
  }
  func.func @transform_0(%arg0: i32, %arg1: memref<97xi32, #tpu.memory_space<smem>>) -> (i32, i32) {
    %c0_i32 = arith.constant 0 : i32
    %c0_i32_0 = arith.constant 0 : i32
    return %arg0, %c0_i32 : i32, i32
  }
  func.func @transform_1(%arg0: i32, %arg1: memref<97xi32, #tpu.memory_space<smem>>) -> (i32, i32, i32) {
    %get3A = arith.index_cast %arg0 : i32 to index
    %get3A_0 = memref.load %arg1[%get3A] : memref<97xi32, #tpu.memory_space<smem>>
    %c0_i32 = arith.constant 0 : i32
    %c0_i32_1 = arith.constant 0 : i32
    %c0_i32_2 = arith.constant 0 : i32
    return %get3A_0, %c0_i32, %c0_i32_1 : i32, i32, i32
  }
  func.func @transform_2(%arg0: i32, %arg1: memref<97xi32, #tpu.memory_space<smem>>) -> (i32, i32, i32) {
    %get3A = arith.index_cast %arg0 : i32 to index
    %get3A_0 = memref.load %arg1[%get3A] : memref<97xi32, #tpu.memory_space<smem>>
    %c0_i32 = arith.constant 0 : i32
    %c0_i32_1 = arith.constant 0 : i32
    %c0_i32_2 = arith.constant 0 : i32
    return %get3A_0, %c0_i32, %c0_i32_1 : i32, i32, i32
  }
  func.func @transform_3(%arg0: i32, %arg1: memref<97xi32, #tpu.memory_space<smem>>) -> (i32, i32, i32) {
    %get3A = arith.index_cast %arg0 : i32 to index
    %get3A_0 = memref.load %arg1[%get3A] : memref<97xi32, #tpu.memory_space<smem>>
    %c0_i32 = arith.constant 0 : i32
    %c0_i32_1 = arith.constant 0 : i32
    %c0_i32_2 = arith.constant 0 : i32
    return %get3A_0, %c0_i32, %c0_i32_1 : i32, i32, i32
  }
  func.func @transform_4(%arg0: i32, %arg1: memref<97xi32, #tpu.memory_space<smem>>) -> (i32, i32, i32) {
    %get3A = arith.index_cast %arg0 : i32 to index
    %get3A_0 = memref.load %arg1[%get3A] : memref<97xi32, #tpu.memory_space<smem>>
    %c0_i32 = arith.constant 0 : i32
    %c0_i32_1 = arith.constant 0 : i32
    %c0_i32_2 = arith.constant 0 : i32
    return %get3A_0, %c0_i32, %c0_i32_1 : i32, i32, i32
  }
  func.func @transform_5(%arg0: i32, %arg1: memref<97xi32, #tpu.memory_space<smem>>) -> (i32, i32) {
    %c0_i32 = arith.constant 0 : i32
    %c0_i32_0 = arith.constant 0 : i32
    return %arg0, %c0_i32 : i32, i32
  }
}

module attributes {stable_mosaic.version = 14 : i64} {
  func.func @_final_body(%arg0: i32, %arg1: memref<256x768xf32, #tpu.memory_space<vmem>>, %arg2: memref<256x768xf32, #tpu.memory_space<vmem>>, %arg3: memref<256x1xf32, #tpu.memory_space<vmem>>, %arg4: memref<1x768xf32, #tpu.memory_space<vmem>>, %arg5: memref<1x768xf32, #tpu.memory_space<vmem>>, %arg6: memref<256x768xf32, #tpu.memory_space<vmem>>) attributes {dimension_semantics = [#tpu.dimension_semantics<arbitrary>], iteration_bounds = array<i64: 8>, scalar_prefetch = 0 : i64, scratch_operands = 0 : i64, tpu.core_type = #tpu.core_type<tc>, window_params = [{transform_indices = @transform_0, window_bounds = array<i64: 256, 768>}, {transform_indices = @transform_1, window_bounds = array<i64: 256, 768>}, {transform_indices = @transform_2, window_bounds = array<i64: 256, 1>}, {pipeline_mode = #tpu.pipeline_mode<synchronous>, transform_indices = @transform_3, window_bounds = array<i64: 1, 768>}, {pipeline_mode = #tpu.pipeline_mode<synchronous>, transform_indices = @transform_4, window_bounds = array<i64: 1, 768>}, {transform_indices = @transform_5, window_bounds = array<i64: 256, 768>}]} {
    %get3A = arith.constant 0 : index
    %get3A_0 = arith.constant 0 : index
    %get3A_1 = vector.load %arg1[%get3A, %get3A_0] : memref<256x768xf32, #tpu.memory_space<vmem>>, vector<256x768xf32>
    %get3A_2 = arith.constant 0 : index
    %get3A_3 = arith.constant 0 : index
    %get3A_4 = vector.load %arg2[%get3A_2, %get3A_3] : memref<256x768xf32, #tpu.memory_space<vmem>>, vector<256x768xf32>
    %get3A_5 = arith.constant 0 : index
    %get3A_6 = arith.constant 0 : index
    %get3A_7 = vector.load %arg3[%get3A_5, %get3A_6] : memref<256x1xf32, #tpu.memory_space<vmem>>, vector<256x1xf32>
    %mul3A = vector.broadcast %get3A_7 : vector<256x1xf32> to vector<256x768xf32>
    %mul3A_8 = arith.mulf %get3A_4, %mul3A : vector<256x768xf32>
    %add3A = arith.addf %get3A_1, %mul3A_8 : vector<256x768xf32>
    %reduce_sum3A = arith.constant dense<0.000000e+00> : vector<256xf32>
    %reduce_sum3A_9 = vector.multi_reduction <add>, %add3A, %reduce_sum3A [1] : vector<256x768xf32> to vector<256xf32>
    %broadcast_in_dim3A = vector.shape_cast %reduce_sum3A_9 : vector<256xf32> to vector<256x1xf32>
    %div3A = arith.constant 7.680000e+02 : f32
    %div3A_10 = vector.broadcast %div3A : f32 to vector<256x1xf32>
    %div3A_11 = arith.divf %broadcast_in_dim3A, %div3A_10 : vector<256x1xf32>
    %sub3A = vector.broadcast %div3A_11 : vector<256x1xf32> to vector<256x768xf32>
    %sub3A_12 = arith.subf %add3A, %sub3A : vector<256x768xf32>
    %integer_pow3A = arith.mulf %sub3A_12, %sub3A_12 : vector<256x768xf32>
    %reduce_sum3A_13 = arith.constant dense<0.000000e+00> : vector<256xf32>
    %reduce_sum3A_14 = vector.multi_reduction <add>, %integer_pow3A, %reduce_sum3A_13 [1] : vector<256x768xf32> to vector<256xf32>
    %broadcast_in_dim3A_15 = vector.shape_cast %reduce_sum3A_14 : vector<256xf32> to vector<256x1xf32>
    %div3A_16 = arith.constant 7.680000e+02 : f32
    %div3A_17 = vector.broadcast %div3A_16 : f32 to vector<256x1xf32>
    %div3A_18 = arith.divf %broadcast_in_dim3A_15, %div3A_17 : vector<256x1xf32>
    %sub3A_19 = vector.broadcast %div3A_11 : vector<256x1xf32> to vector<256x768xf32>
    %sub3A_20 = arith.subf %add3A, %sub3A_19 : vector<256x768xf32>
    %add3A_21 = arith.constant 9.99999974E-6 : f32
    %add3A_22 = vector.broadcast %add3A_21 : f32 to vector<256x1xf32>
    %add3A_23 = arith.addf %div3A_18, %add3A_22 : vector<256x1xf32>
    %sqrt3A = math.sqrt %add3A_23 : vector<256x1xf32>
    %div3A_24 = vector.broadcast %sqrt3A : vector<256x1xf32> to vector<256x768xf32>
    %div3A_25 = arith.divf %sub3A_20, %div3A_24 : vector<256x768xf32>
    %get3A_26 = arith.constant 0 : index
    %get3A_27 = arith.constant 0 : index
    %get3A_28 = vector.load %arg4[%get3A_26, %get3A_27] : memref<1x768xf32, #tpu.memory_space<vmem>>, vector<1x768xf32>
    %mul3A_29 = vector.broadcast %get3A_28 : vector<1x768xf32> to vector<256x768xf32>
    %mul3A_30 = arith.mulf %div3A_25, %mul3A_29 : vector<256x768xf32>
    %get3A_31 = arith.constant 0 : index
    %get3A_32 = arith.constant 0 : index
    %get3A_33 = vector.load %arg5[%get3A_31, %get3A_32] : memref<1x768xf32, #tpu.memory_space<vmem>>, vector<1x768xf32>
    %add3A_34 = vector.broadcast %get3A_33 : vector<1x768xf32> to vector<256x768xf32>
    %add3A_35 = arith.addf %mul3A_30, %add3A_34 : vector<256x768xf32>
    %swap3A = arith.constant 0 : index
    %swap3A_36 = arith.constant 0 : index
    %swap3A_37 = vector.load %arg6[%swap3A, %swap3A_36] : memref<256x768xf32, #tpu.memory_space<vmem>>, vector<256x768xf32>
    tpu.vector_store %arg6[%swap3A, %swap3A_36], %add3A_35 {strides = array<i32>} : memref<256x768xf32, #tpu.memory_space<vmem>>, vector<256x768xf32>,
    return
  }
  func.func @transform_0(%arg0: i32) -> (i32, i32) {
    %c0_i32 = arith.constant 0 : i32
    %c0_i32_0 = arith.constant 0 : i32
    return %arg0, %c0_i32 : i32, i32
  }
  func.func @transform_1(%arg0: i32) -> (i32, i32) {
    %c0_i32 = arith.constant 0 : i32
    %c0_i32_0 = arith.constant 0 : i32
    return %arg0, %c0_i32 : i32, i32
  }
  func.func @transform_2(%arg0: i32) -> (i32, i32) {
    %c0_i32 = arith.constant 0 : i32
    %c0_i32_0 = arith.constant 0 : i32
    return %arg0, %c0_i32 : i32, i32
  }
  func.func @transform_3(%arg0: i32) -> (i32, i32) {
    %c0_i32 = arith.constant 0 : i32
    %c0_i32_0 = arith.constant 0 : i32
    %c0_i32_1 = arith.constant 0 : i32
    return %c0_i32, %c0_i32_0 : i32, i32
  }
  func.func @transform_4(%arg0: i32) -> (i32, i32) {
    %c0_i32 = arith.constant 0 : i32
    %c0_i32_0 = arith.constant 0 : i32
    %c0_i32_1 = arith.constant 0 : i32
    return %c0_i32, %c0_i32_0 : i32, i32
  }
  func.func @transform_5(%arg0: i32) -> (i32, i32) {
    %c0_i32 = arith.constant 0 : i32
    %c0_i32_0 = arith.constant 0 : i32
    return %arg0, %c0_i32 : i32, i32
  }
}

</mosaic_0001>

<sc_bundles>
// kernel: kernel.11.cloned.1.call-start
scs
__scs_entry_jumppad:
0x0: {  	(pc) =	sbr.rel $0x88, $3  }
0x1: {  	(tag) =	ssettag $0x0;
	lr =	simm.s32 $0x1  }
0x2: {  	[smem:$0x3F8E] =	sst lr;
	_ =	strace $0xD0000000  }
0x3: {  	_ = 	snop  }
0x4: {  	_ = 	snop  }
0x5: {  	_ = 	snop  }
0x6: {  	_ = 	snop  }
0x7: {  	_ = 	snop  }
__scs_overlays_trampoline_lowered:
0x8: {  	[smem:$0x3F9D] =	sst s0  }
0x9: {  	[smem:$0x3F9E] =	sst s1  }
0xa: {  	[smem:$0x3F9F] =	sst s2  }
0xb: {  	[smem:$0x3FA0] =	sst s3  }
0xc: {  	[smem:$0x3FA1] =	sst s4  }
0xd: {  	[smem:$0x3FA2] =	sst s5  }
0xe: {  	[smem:$0x3FA3] =	sst s6  }
0xf: {  	[smem:$0x3FA4] =	sst s7  }
0x10: {  	[smem:$0x3FA5] =	sst s8  }
0x11: {  	[smem:$0x3FA6] =	sst s9;
	s0 =	simm.s32 @!p0 $0x0  }
0x12: {  	s1 =	sld [smem:$0x3F8C];
	s0 =	simm.s32 @p0 $0x1  }
0x13: {  	[smem:$0x3FA7] =	sst s0;
	s0 =	simm.s32 @!p1 $0x0  }
0x14: {  	s2 =	sld [smem:$0x3F8B];
	s0 =	simm.s32 @p1 $0x1  }
0x15: {  	[smem:$0x3FA8] =	sst s0;
	s0 =	simm.s32 @!p2 $0x0  }
0x16: {  	s3 =	sld [smem:$0x3FDB];
	s0 =	simm.s32 @p2 $0x1  }
0x17: {  	s4 =	simm.s32 $0x1BF5;
	[smem:$0x3FAA] =	sst s0  }
0x18: {  	s0 =	sld [smem:$0x3F8D];
	_ =	swait.ge [sflag:s4], $0x0  }
0x19: {  	s7 =	sld [smem:$0x3F8E]  }
0x1a: {  	s8 =	sadd.s32 $0xFFFFE003, lr  }
0x1b: {  	s9 =	sadd.s32 $0xFFFFFEF7, lr;
	s5 =	simm.s32 $0xFFFFFFFF;
	p2 =	slt.u32 s8, $0xFFFFF086  }
0x1c: {  	p1 =	slt.u32 s9, $0xF7A;
	s5 =	simm.s32 @!p2 $0x0  }
0x1d: {  	s5 =	simm.s32 @p1 $0x1;
	p0 =	seq.s32 s7, s2  }
0x1e: {  	s7 =	smul.u32 @!p0 $0xF7A, s2;
	p2 =	seq.s32 @!p0 s5, $0x0  }
0x1f: {  	s9 =	smul.u32 $0xF7A, s1;
	s8 =	simm.s32 @!p0 $0x1BF5;
	p2 =	por !p2, p0  }
0x20: {  	[sflag:s8] =	ssyncset.s32 @!p0 $0xFFFFF086;
	s6 =	sadd.s32 @!p0 s3, s7;
	s7 =	simm.s32 @!p0 $0x108  }
0x21: {  	s3 =	sadd.s32 s3, s9;
	s6 =	sadd.s32 @!p0 $0x88, s6;
	s7 =	simm.s32 @p2 $0x1082  }
0x22: {  	[simem:s7], [sflag:s8] =	dma.local @!p0 [hbm:s6], $0xF7A  }
0x23: {  	s9 =	sor.u32 $0xD0000000, s2;
	s6 =	simm.s32 $0x108;
	_ =	swait.ge @!p0 [sflag:s8], $0x0  }
0x24: {  	s3 =	sadd.s32 $0x88, s3;
	s6 =	simm.s32 @!p1 $0x1082;
	[sflag:s4] =	ssyncset.s32 $0xFFFFF086  }
0x25: {  	[simem:s6], [sflag:s4] =	dma.local [hbm:s3], $0xF7A  }
0x26: {  	[smem:$0x3F8E] =	sst s1;
	(tag) =	ssettag s2;
	_ =	strace s9  }
0x27: {  	s1 =	sld [smem:$0x3F9E]  }
0x28: {  	s2 =	sld [smem:$0x3F9F]  }
0x29: {  	s4 =	sld [smem:$0x3FA1]  }
0x2a: {  	p0 =	seq.s32 s5, $0x0;
	s5 =	sld [smem:$0x3FA2]  }
0x2b: {  	s6 =	sld [smem:$0x3FA3]  }
0x2c: {  	s7 =	sld [smem:$0x3FA4]  }
0x2d: {  	s3 =	simm.s32 $0x108;
	s8 =	sld [smem:$0x3FA5]  }
0x2e: {  	s3 =	simm.s32 @!p0 $0x1082;
	s9 =	sld [smem:$0x3FA6]  }
0x2f: {  	lr =	sadd.s32 s0, s3;
	s0 =	sld [smem:$0x3F9D]  }
0x30: {  	s3 =	sld [smem:$0x3FA0]  }
0x31: {  	[smem:$0x3FA9] =	sst s10  }
0x32: {  	s10 =	sld [smem:$0x3FA7];
	_ =	sdelay $0x3  }
0x33: {  	p0 =	seq.s32 s10, $0x1;
	s10 =	sld [smem:$0x3FA9];
	_ =	sdelay $0x3  }
0x34: {  	[smem:$0x3FA9] =	sst s10  }
0x35: {  	s10 =	sld [smem:$0x3FA8];
	_ =	sdelay $0x3  }
0x36: {  	p1 =	seq.s32 s10, $0x1;
	s10 =	sld [smem:$0x3FA9];
	_ =	sdelay $0x3  }
0x37: {  	[smem:$0x3FA9] =	sst s10  }
0x38: {  	s10 =	sld [smem:$0x3FAA]  }
0x39: {  	_ = 	snop;
	(pc) =	sbr.ind lr, $3  }
0x3a: {  	_ = 	snop  }
0x3b: {  	_ = 	snop  }
0x3c: {  	p2 =	seq.s32 s10, $0x1;
	s10 =	sld [smem:$0x3FA9]  }
0x3d: {  	_ =	shalt  }
0x3e: {  	_ =	shalt  }
0x3f: {  	_ =	shalt  }
0x40: {  	_ =	shalt  }
0x41: {  	_ =	shalt  }
0x42: {  	_ =	shalt  }
0x43: {  	_ =	shalt  }
0x44: {  	_ =	shalt  }
0x45: {  	_ =	shalt  }
0x46: {  	_ =	shalt  }
0x47: {  	_ =	shalt  }
0x48: {  	_ =	shalt  }
0x49: {  	_ =	shalt  }
0x4a: {  	_ =	shalt  }
0x4b: {  	_ =	shalt  }
0x4c: {  	_ =	shalt  }
0x4d: {  	_ =	shalt  }
0x4e: {  	_ =	shalt  }
0x4f: {  	_ =	shalt  }
0x50: {  	_ =	shalt  }
0x51: {  	_ =	shalt  }
0x52: {  	_ =	shalt  }
0x53: {  	_ =	shalt  }
0x54: {  	_ =	shalt  }
0x55: {  	_ =	shalt  }
0x56: {  	_ =	shalt  }
0x57: {  	_ =	shalt  }
0x58: {  	_ =	shalt  }
0x59: {  	_ =	shalt  }
0x5a: {  	_ =	shalt  }
0x5b: {  	_ =	shalt  }
0x5c: {  	_ =	shalt  }
0x5d: {  	_ =	shalt  }
0x5e: {  	_ =	shalt  }
0x5f: {  	_ =	shalt  }
0x60: {  	_ =	shalt  }
0x61: {  	_ =	shalt  }
0x62: {  	_ =	shalt  }
0x63: {  	_ =	shalt  }
0x64: {  	_ =	shalt  }
0x65: {  	_ =	shalt  }
0x66: {  	_ =	shalt  }
0x67: {  	_ =	shalt  }
0x68: {  	_ =	shalt  }
0x69: {  	_ =	shalt  }
0x6a: {  	_ =	shalt  }
0x6b: {  	_ =	shalt  }
0x6c: {  	_ =	shalt  }
0x6d: {  	_ =	shalt  }
0x6e: {  	_ =	shalt  }
0x6f: {  	_ =	shalt  }
0x70: {  	_ =	shalt  }
0x71: {  	_ =	shalt  }
0x72: {  	_ =	shalt  }
0x73: {  	_ =	shalt  }
0x74: {  	_ =	shalt  }
0x75: {  	_ =	shalt  }
0x76: {  	_ =	shalt  }
0x77: {  	_ =	shalt  }
0x78: {  	_ =	shalt  }
0x79: {  	_ =	shalt  }
0x7a: {  	_ =	shalt  }
0x7b: {  	_ =	shalt  }
0x7c: {  	_ =	shalt  }
0x7d: {  	_ =	shalt  }
0x7e: {  	_ =	shalt  }
0x7f: {  	_ =	shalt  }
0x80: {  	_ =	shalt  }
0x81: {  	_ =	shalt  }
0x82: {  	_ =	shalt  }
0x83: {  	_ =	shalt  }
0x84: {  	_ =	shalt  }
0x85: {  	_ =	shalt  }
0x86: {  	_ =	shalt  }
0x87: {  	_ =	shalt  }
.Lfunc_end0:
.L_simem_size_0:
called_computation.1_lowered:
.L_overlay_start_0:
0x88: {  	s2 =	sld [smem:$0x3FD9]  }
0x89: {  	s3 =	sld [smem:$0x3FFE];
	_ =	sdelay $0x1  }
0x8a: {  	s1 =	srdreg.scid  }
0x8b: {  	s0 =	sand.u32 $0x1, s1  }
0x8c: {  	s16 =	sshll.u32 s0, $0xA;
	s2 =	sadd.s32 s3, s2  }
0x8d: {  	s2 =	sadd.s32 s2, s16  }
0x8e: {  	[smem:$0x3FB5] =	sst s2  }
0x8f: {  	_ = 	snop  }
0x90: {  	(tm) =	ssettm $0x1  }
0x91: {  	s17 =	sld [smem:$0x3FFB];
	_ =	sdelay $0x3  }
0x92: {  	_ =	strace s17  }
0x93: {  	s2 =	sld [smem:$0x3FFC];
	_ =	sdelay $0x3  }
0x94: {  	_ =	strace s2  }
0x95: {  	s2 =	sld [smem:$0x3FFD];
	_ =	sdelay $0x3  }
0x96: {  	_ =	strace s2  }
0x97: {  	_ =	strace $0x8FFFFFFF  }
0x98: {  	s18 =	sld [smem:$0x3FDB];
	_ =	sdelay $0x1  }
0x99: {  	s19 =	simm.s32 $_scs_section_size  }
0x9a: {  	s4 =	simm.s32 $_size__tile_overlayer_lowered;
	s5 =	simm.s32 $_tile_overlayer_lowered  }
0x9b: {  	s22 =	simm.s32 $0x1BFF;
	s21 =	sshll.u32 s5, $0x1;
	s2 =	sadd.s32 s19, s18  }
0x9c: {  	s6 =	simm.s32 $0x0;
	s20 =	sshll.u32 s4, $0x1;
	s4 =	sadd.s32 s21, s2  }
0x9d: {  	[timem:s6], [sflag:s22] =	dma.local [hbm:s4], s20  }
0x9e: {  	_ =	swait.ge [sflag:s22], s20  }
0x9f: {  	s3 =	ssub.s32 $0x0, s20;
	[sflag:s22] =	ssyncset.done $0x0  }
0xa0: {  	[sflag:s22] =	ssyncadd.s32 s3;
	_ =	sdelay $0x1  }
0xa1: {  	s23 =	simm.s32 $0x1B8B  }
0xa2: {  	_ =	swait.ge [sflag:s23], $0x1  }
0xa3: {  	[sflag:s23] =	ssyncset.done $0x0  }
0xa4: {  	s25 =	simm.s32 $0x1B8E;
	s24 =	sld [smem:$0x3FFE];
	[sflag:s23] =	ssyncadd.s32 $0xFFFFFFFF  }
0xa5: {  	s26 =	simm.s32 $execute0_lowered;
	[smem:$0x3FD2] =	sst s25  }
0xa6: {  	s4 =	sshll.u32 s26, $0x1;
	_ =	strace $0x80000049;
	[dreg:$0x1] =	wrdreg $0xFFFFFFFF  }
0xa7: {  	s28 =	simm.s32 $_size_execute0_lowered;
	s2 =	sadd.s32 s2, s4;
	[dreg:$0x0] =	wrdreg $0x0  }
0xa8: {  	s4 =	sshll.u32 s28, $0x1;
	[dreg:$0x2] =	wrdreg s2  }
0xa9: {  	[dreg:$0x3] =	wrdreg s4  }
0xaa: {  	[dreg:$0x4] =	wrdreg $0xC0  }
0xab: {  	_ =	task [dreg:s6], $0x5FFFF  }
0xac: {  	[dreg:$0x1] =	wrdreg $0xFFFFFFFF  }
0xad: {  	[dreg:$0x0] =	wrdreg $0x60  }
0xae: {  	[dreg:$0x2] =	wrdreg s24  }
0xaf: {  	[dreg:$0x3] =	wrdreg $0x9  }
0xb0: {  	_ =	task.clear_ibuf [dreg:s6], $0x4FFFF;
	_ =	strace $0x90000049  }
0xb1: {  	s29 =	simm.s32 $0x9;
	_ =	strace $0x8000004B  }
0xb2: {  	_ =	swait.ge [sflag:s29], $0x1  }
0xb3: {  	[sflag:s29] =	ssyncadd.s32 $0xFFFFFFFF  }
0xb4: {  	_ =	strace $0x9000004B  }
0xb5: {  	_ =	sfence  }
0xb6: {  	s30 =	sld [smem:$0x0];
	_ =	sdelay $0x2  }
0xb7: {  	s31 =	sshll.u32 s1, $0xD;
	s1 =	sshrl.u32 s1, $0x2  }
0xb8: {  	s3 =	sand.u32 $0x4000, s31;
	s1 =	sadd.s32 s1, s30  }
0xb9: {  	s0 =	sor.u32 s3, s0;
	s1 =	sshll.u32 s1, $0x11  }
0xba: {  	s0 =	sor.u32 s1, s0  }
0xbb: {  	s0 =	sadd.s32 $0x8F2B, s0  }
0xbc: {  	[sflag:s0] =	ssyncadd.remote.s32 $0x1  }
0xbd: {  	_ =	sfence.sel $0xFFFF  }
0xbe: {  	[dreg:$0x0] =	wrdreg $0xFFFFFFFF;
	(pc) =	sbr.abs _section_cstart, $3  }
0xbf: {  	[dreg:$0x1] =	wrdreg $0xFFFFFFFF  }
0xc0: {  	_ =	task.clear_ibuf [dreg:s6], $0x2FFFF;
	_ =	strace $0x9FFFFFFF  }
0xc1: {  	(tm) =	ssettm $0x7FFFFFFF  }
tec
execute0_lowered:
.L_overlay_start_1:
0x0: {  	(tag) =	ssettag $0x1  }
0x1: {  	s0 =	rddreg [dreg:$0x0];
	s2 =	simm.s32 $0x0;
	s3 =	srdreg.scid  }
0x2: {  	s1 =	stileid.u32;
	s26 =	simm.s32 $0x880;
	s9 =	simm.s32 $0x1080  }
0x3: {  	s10 =	simm.s32 $0x1880;
	s11 =	simm.s32 $0x2080;
	s12 =	simm.s32 $0x2880  }
0x4: {  	s13 =	simm.s32 $0x3080;
	s14 =	simm.s32 $0x3880;
	s15 =	simm.s32 $0x4080  }
0x5: {  	s16 =	simm.s32 $0x4880;
	s17 =	simm.s32 $0x5080;
	s18 =	simm.s32 $0x5880  }
0x6: {  	s19 =	simm.s32 $0x6080;
	s20 =	simm.s32 $0x6880;
	s21 =	simm.s32 $0x7080  }
0x7: {  	s22 =	simm.s32 $0x7880;
	s23 =	simm.s32 $0x8080;
	s28 =	simm.s32 $0xA080  }
0x8: {  	s29 =	simm.s32 $0xA880;
	s30 =	simm.s32 $0xB080;
	s31 =	simm.s32 $0xB880  }
0x9: {  	[smem:$0x7FF] =	sst s2;
	s3 =	sand.u32 $0x1, s3;
	s4 =	sshll.u32 s1, $0x1  }
0xa: {  	_ =	strace $0x8000004A;
	s4 =	sor.u32 s3, s4;
	s6 =	ssub.s32 $0x2, s3  }
0xb: {  	s3 =	sadd.s32 $0xB400, s0;
	[dreg:$0x4] =	wrdreg s26;
	s26 =	simm.s32 $0x9880  }
0xc: {  	s5 =	sshll.u32 s4, $0x4;
	s4 =	smul.u32 $0x1800, s4;
	s7 =	sshrl.u32 s6, $0x1  }
0xd: {  	s5 =	sadd.s32 s5, s0;
	s6 =	ssub.s32 s6, s7;
	s7 =	simm.s32 $0x2  }
0xe: {  	s8 =	sadd.s32 s4, s0;
	s24 =	sadd.s32 $0xB200, s5;
	s4 =	sadd.s32 $0xB500, s0  }
0xf: {  	v2 =	vlaneseq.u32;
	s5 =	sadd.s32 $0xB600, s0;
	s6 =	smax.u32 s6, $0x1;
	s0 =	simm.s32 $0x1  }
0x10: {  	vm0 =	vmmov $0xffff;
	v1 =	vshrl.u32 v2, $0x3;
	[dreg:$0x2] =	wrdreg s24;
	s25 =	sadd.s32 $0x9B400, s8;
	s8 =	simm.s32 $0x80  }
0x11: {  	v0 =	vand.u32 $0x7, v2;
	v2 =	vor.u32 $0x8, v2;
	v1 =	vmul.u32 $0x8, v1;
	s24 =	simm.s32 $0x8880;
	[dreg:$0x3] =	wrdreg s25;
	s25 =	simm.s32 $0x9080  }
.LBB2_1:
0x12: {  	s1 =	rddreg [dreg:$0x2]  }
0x13: {  	[tilespmem:s2], [sflag:$0x2] =	stream.linear.gather [hbm4b:s1+s2], $0x80, $0x38;
	[tilespmem:$0xC080] =	vst v63  }
0x14: {  	_ =	swait.ge [sflag:s7], $0x80  }
0x15: {  	[sflag:s7] =	ssyncset.done $0x0  }
0x16: {  	[sflag:s7] =	ssyncadd.s32 $0xFFFFFF80  }
0x17: {  	v3 =	vld [tilespmem:$0x0];
	_ =	sdelay $0x4  }
0x18: {  	v4 =	vshrl.u32 v3, $0x3  }
0x19: {  	v4 =	vmul.u32 $0x30, v4  }
0x1a: {  	v3 =	vand.u32 $0x7, v3  }
0x1b: {  	v3 =	vor.u32 v3, v4  }
0x1c: {  	v4 =	vperm.xlane v3, v0;
	_ =	sdelay $0x1  }
0x1d: {  	v4 =	vadd.s32 v1, v4;
	_ =	sdelay $0x3  }
0x1e: {  	v3 =	vperm.xlane v3, v2  }
0x1f: {  	[tilespmem:s8], [sflag:$0x1] =	stream.indirect_vreg.gather [hbm4b:s3+s2], $0x80, v4, vm0, $0xb8;
	[tilespmem:$0xC080] =	vst v63  }
0x20: {  	s1 =	rddreg [dreg:$0x4];
	v3 =	vadd.s32 v1, v3  }
0x21: {  	[tilespmem:s1], [sflag:$0x1] =	stream.indirect_vreg.gather [hbm4b:s4+s2], $0x80, v4, vm0, $0xb8;
	[tilespmem:$0xC080] =	vst v63  }
0x22: {  	_ = 	snop  }
0x23: {  	[tilespmem:s9], [sflag:$0x1] =	stream.indirect_vreg.gather [hbm4b:s5+s2], $0x80, v4, vm0, $0xb8;
	[tilespmem:$0xC080] =	vst v63  }
0x24: {  	_ = 	snop  }
0x25: {  	[tilespmem:s10], [sflag:$0x1] =	stream.indirect_vreg.gather [hbm4b:s3+s2], $0x80, v3, vm0, $0xb8;
	[tilespmem:$0xC080] =	vst v63  }
0x26: {  	_ = 	snop  }
0x27: {  	[tilespmem:s11], [sflag:$0x1] =	stream.indirect_vreg.gather [hbm4b:s4+s2], $0x80, v3, vm0, $0xb8;
	[tilespmem:$0xC080] =	vst v63  }
0x28: {  	_ = 	snop  }
0x29: {  	[tilespmem:s12], [sflag:$0x1] =	stream.indirect_vreg.gather [hbm4b:s5+s2], $0x80, v3, vm0, $0xb8;
	[tilespmem:$0xC080] =	vst v63  }
0x2a: {  	v3 =	vld [tilespmem:$0x10];
	_ =	sdelay $0x4  }
0x2b: {  	v61 =	vshrl.u32 v3, $0x3  }
0x2c: {  	v4 =	vmul.u32 $0x30, v61  }
0x2d: {  	v3 =	vand.u32 $0x7, v3  }
0x2e: {  	v3 =	vor.u32 v3, v4  }
0x2f: {  	v4 =	vperm.xlane v3, v0;
	_ =	sdelay $0x1  }
0x30: {  	v4 =	vadd.s32 v1, v4;
	_ =	sdelay $0x3  }
0x31: {  	v3 =	vperm.xlane v3, v2  }
0x32: {  	[tilespmem:s13], [sflag:$0x1] =	stream.indirect_vreg.gather [hbm4b:s3+s2], $0x80, v4, vm0, $0xb8;
	[tilespmem:$0xC080] =	vst v63  }
0x33: {  	v3 =	vadd.s32 v1, v3  }
0x34: {  	[tilespmem:s14], [sflag:$0x1] =	stream.indirect_vreg.gather [hbm4b:s4+s2], $0x80, v4, vm0, $0xb8;
	[tilespmem:$0xC080] =	vst v63  }
0x35: {  	_ = 	snop  }
0x36: {  	[tilespmem:s15], [sflag:$0x1] =	stream.indirect_vreg.gather [hbm4b:s5+s2], $0x80, v4, vm0, $0xb8;
	[tilespmem:$0xC080] =	vst v63  }
0x37: {  	_ = 	snop  }
0x38: {  	[tilespmem:s16], [sflag:$0x1] =	stream.indirect_vreg.gather [hbm4b:s3+s2], $0x80, v3, vm0, $0xb8;
	[tilespmem:$0xC080] =	vst v63  }
0x39: {  	_ = 	snop  }
0x3a: {  	[tilespmem:s17], [sflag:$0x1] =	stream.indirect_vreg.gather [hbm4b:s4+s2], $0x80, v3, vm0, $0xb8;
	[tilespmem:$0xC080] =	vst v63  }
0x3b: {  	_ = 	snop  }
0x3c: {  	[tilespmem:s18], [sflag:$0x1] =	stream.indirect_vreg.gather [hbm4b:s5+s2], $0x80, v3, vm0, $0xb8;
	[tilespmem:$0xC080] =	vst v63  }
0x3d: {  	v3 =	vld [tilespmem:$0x20];
	_ =	sdelay $0x4  }
0x3e: {  	v62 =	vshrl.u32 v3, $0x3  }
0x3f: {  	v4 =	vmul.u32 $0x30, v62  }
0x40: {  	v3 =	vand.u32 $0x7, v3  }
0x41: {  	v3 =	vor.u32 v3, v4  }
0x42: {  	v4 =	vperm.xlane v3, v0;
	_ =	sdelay $0x1  }
0x43: {  	v4 =	vadd.s32 v1, v4;
	_ =	sdelay $0x3  }
0x44: {  	v3 =	vperm.xlane v3, v2  }
0x45: {  	[tilespmem:s19], [sflag:$0x1] =	stream.indirect_vreg.gather [hbm4b:s3+s2], $0x80, v4, vm0, $0xb8;
	[tilespmem:$0xC080] =	vst v63  }
0x46: {  	v3 =	vadd.s32 v1, v3  }
0x47: {  	[tilespmem:s20], [sflag:$0x1] =	stream.indirect_vreg.gather [hbm4b:s4+s2], $0x80, v4, vm0, $0xb8;
	[tilespmem:$0xC080] =	vst v63  }
0x48: {  	_ = 	snop  }
0x49: {  	[tilespmem:s21], [sflag:$0x1] =	stream.indirect_vreg.gather [hbm4b:s5+s2], $0x80, v4, vm0, $0xb8;
	[tilespmem:$0xC080] =	vst v63  }
0x4a: {  	_ = 	snop  }
0x4b: {  	[tilespmem:s22], [sflag:$0x1] =	stream.indirect_vreg.gather [hbm4b:s3+s2], $0x80, v3, vm0, $0xb8;
	[tilespmem:$0xC080] =	vst v63  }
0x4c: {  	_ = 	snop  }
0x4d: {  	[tilespmem:s23], [sflag:$0x1] =	stream.indirect_vreg.gather [hbm4b:s4+s2], $0x80, v3, vm0, $0xb8;
	[tilespmem:$0xC080] =	vst v63  }
0x4e: {  	_ = 	snop  }
0x4f: {  	[tilespmem:s24], [sflag:$0x1] =	stream.indirect_vreg.gather [hbm4b:s5+s2], $0x80, v3, vm0, $0xb8;
	[tilespmem:$0xC080] =	vst v63  }
0x50: {  	v3 =	vld [tilespmem:$0x30];
	_ =	sdelay $0x4  }
0x51: {  	v63 =	vshrl.u32 v3, $0x3  }
0x52: {  	v4 =	vmul.u32 $0x30, v63  }
0x53: {  	v3 =	vand.u32 $0x7, v3  }
0x54: {  	v3 =	vor.u32 v3, v4  }
0x55: {  	v4 =	vperm.xlane v3, v0;
	_ =	sdelay $0x1  }
0x56: {  	v4 =	vadd.s32 v1, v4;
	_ =	sdelay $0x3  }
0x57: {  	v3 =	vperm.xlane v3, v2  }
0x58: {  	[tilespmem:s25], [sflag:$0x1] =	stream.indirect_vreg.gather [hbm4b:s3+s2], $0x80, v4, vm0, $0xb8;
	[tilespmem:$0xC080] =	vst v63  }
0x59: {  	v3 =	vadd.s32 v1, v3  }
0x5a: {  	[tilespmem:s26], [sflag:$0x1] =	stream.indirect_vreg.gather [hbm4b:s4+s2], $0x80, v4, vm0, $0xb8;
	[tilespmem:$0xC080] =	vst v63  }
0x5b: {  	_ = 	snop  }
0x5c: {  	[tilespmem:s28], [sflag:$0x1] =	stream.indirect_vreg.gather [hbm4b:s5+s2], $0x80, v4, vm0, $0xb8;
	[tilespmem:$0xC080] =	vst v63  }
0x5d: {  	_ = 	snop  }
0x5e: {  	[tilespmem:s29], [sflag:$0x1] =	stream.indirect_vreg.gather [hbm4b:s3+s2], $0x80, v3, vm0, $0xb8;
	[tilespmem:$0xC080] =	vst v63  }
0x5f: {  	_ = 	snop  }
0x60: {  	[tilespmem:s30], [sflag:$0x1] =	stream.indirect_vreg.gather [hbm4b:s4+s2], $0x80, v3, vm0, $0xb8;
	[tilespmem:$0xC080] =	vst v63  }
0x61: {  	_ = 	snop  }
0x62: {  	[tilespmem:s31], [sflag:$0x1] =	stream.indirect_vreg.gather [hbm4b:s5+s2], $0x80, v3, vm0, $0xb8;
	[tilespmem:$0xC080] =	vst v63  }
0x63: {  	_ =	swait.ge [sflag:s0], $0xC000  }
0x64: {  	p0 =	sne.s32 s6, $0x1;
	[sflag:s0] =	ssyncset.done $0x0  }
.Ltmp0:
0x65: {  	s1 =	rddreg [dreg:$0x3];
	[sflag:s0] =	ssyncadd.s32 $0xFFFF4000;
	(pc) =	sbr.rel @p0 .LBB2_1-.Ltmp0, $4  }
0x66: {  	[hbm4b:s1+s2] =	stream.linear.scatter [tilespmem:s8], [sflag:$0x2], $0xC000, $0x38;
	[tilespmem:$0xC080] =	vst v63  }
0x67: {  	_ =	swait.ge [sflag:s7], $0xC000  }
0x68: {  	[sflag:s7] =	ssyncset.done $0x0  }
0x69: {  	s6 =	sadd.s32 $0xFFFFFFFF, s6;
	[sflag:s7] =	ssyncadd.s32 $0xFFFF4000  }
0x6a: {  	_ =	sfence.sel $0x180000  }
0x6b: {  	[bflag:$0x0] =	sbarrier.arrive $0xFFFF  }
0x6c: {  	_ =	strace $0x9000004A  }
0x6d: {  	s0 =	stileid.u32;
	[bflag:$0x2] =	sbarrier.arrive $0xFFFF  }
0x6e: {  	p0 =	sne.s32 s0, $0x0;
	s0 =	rddreg [dreg:$0x1]  }
0x6f: {  	s0 =	sadd.s32 @!p0 $0x100000, s0  }
0x70: {  	[sflag:s0] =	ssyncadd.tile.s32 @!p0 $0x1;
	_ =	shalt  }
.Lfunc_end2:
_tile_overlayer_lowered:
.L_overlay_start_2:
0x71: {  	(tag) =	ssettag $0x2  }
0x72: {  	s0 =	rddreg [dreg:$0x0];
	s2 =	stileid.u32  }
0x73: {  	s1 =	rddreg [dreg:$0x1];
	p0 =	sne.s32 s2, $0x0  }
0x74: {  	s3 =	rddreg [dreg:$0x2];
	[bflag:$0x3] =	sbarrier.arrive $0xFFFF;
	s2 =	simm.s32 @!p0 $0x1C02  }
0x75: {  	[timem:s3], [sflag:s2] =	dma.local @!p0 [hbm:s0], s1  }
0x76: {  	s0 =	simm.s32 @!p0 $0x2  }
0x77: {  	_ =	swait.ge @!p0 [sflag:s0], s1  }
0x78: {  	s1 =	ssub.s32 @!p0 $0x0, s1;
	[sflag:s0] =	ssyncset.done @!p0 $0x0  }
0x79: {  	[sflag:s0] =	ssyncadd.s32 @!p0 s1  }
0x7a: {  	[bflag:$0x3] =	sbarrier.arrive $0xFFFF  }
0x7b: {  	_ =	shalt  }

// kernel: kernel.8.cloned.1.call-start
scs
__scs_entry_jumppad:
0x0: {  	(pc) =	sbr.rel $0x88, $3  }
0x1: {  	(tag) =	ssettag $0x0;
	lr =	simm.s32 $0x1  }
0x2: {  	[smem:$0x3F8E] =	sst lr;
	_ =	strace $0xD0000000  }
0x3: {  	_ = 	snop  }
0x4: {  	_ = 	snop  }
0x5: {  	_ = 	snop  }
0x6: {  	_ = 	snop  }
0x7: {  	_ = 	snop  }
__scs_overlays_trampoline_lowered:
0x8: {  	[smem:$0x3F9D] =	sst s0  }
0x9: {  	[smem:$0x3F9E] =	sst s1  }
0xa: {  	[smem:$0x3F9F] =	sst s2  }
0xb: {  	[smem:$0x3FA0] =	sst s3  }
0xc: {  	[smem:$0x3FA1] =	sst s4  }
0xd: {  	[smem:$0x3FA2] =	sst s5  }
0xe: {  	[smem:$0x3FA3] =	sst s6  }
0xf: {  	[smem:$0x3FA4] =	sst s7  }
0x10: {  	[smem:$0x3FA5] =	sst s8  }
0x11: {  	[smem:$0x3FA6] =	sst s9;
	s0 =	simm.s32 @!p0 $0x0  }
0x12: {  	s1 =	sld [smem:$0x3F8C];
	s0 =	simm.s32 @p0 $0x1  }
0x13: {  	[smem:$0x3FA7] =	sst s0;
	s0 =	simm.s32 @!p1 $0x0  }
0x14: {  	s2 =	sld [smem:$0x3F8B];
	s0 =	simm.s32 @p1 $0x1  }
0x15: {  	[smem:$0x3FA8] =	sst s0;
	s0 =	simm.s32 @!p2 $0x0  }
0x16: {  	s3 =	sld [smem:$0x3FDB];
	s0 =	simm.s32 @p2 $0x1  }
0x17: {  	s4 =	simm.s32 $0x1BF5;
	[smem:$0x3FAA] =	sst s0  }
0x18: {  	s0 =	sld [smem:$0x3F8D];
	_ =	swait.ge [sflag:s4], $0x0  }
0x19: {  	s7 =	sld [smem:$0x3F8E]  }
0x1a: {  	s8 =	sadd.s32 $0xFFFFE003, lr  }
0x1b: {  	s9 =	sadd.s32 $0xFFFFFEF7, lr;
	s5 =	simm.s32 $0xFFFFFFFF;
	p2 =	slt.u32 s8, $0xFFFFF086  }
0x1c: {  	p1 =	slt.u32 s9, $0xF7A;
	s5 =	simm.s32 @!p2 $0x0  }
0x1d: {  	s5 =	simm.s32 @p1 $0x1;
	p0 =	seq.s32 s7, s2  }
0x1e: {  	s7 =	smul.u32 @!p0 $0xF7A, s2;
	p2 =	seq.s32 @!p0 s5, $0x0  }
0x1f: {  	s9 =	smul.u32 $0xF7A, s1;
	s8 =	simm.s32 @!p0 $0x1BF5;
	p2 =	por !p2, p0  }
0x20: {  	[sflag:s8] =	ssyncset.s32 @!p0 $0xFFFFF086;
	s6 =	sadd.s32 @!p0 s3, s7;
	s7 =	simm.s32 @!p0 $0x108  }
0x21: {  	s3 =	sadd.s32 s3, s9;
	s6 =	sadd.s32 @!p0 $0x88, s6;
	s7 =	simm.s32 @p2 $0x1082  }
0x22: {  	[simem:s7], [sflag:s8] =	dma.local @!p0 [hbm:s6], $0xF7A  }
0x23: {  	s9 =	sor.u32 $0xD0000000, s2;
	s6 =	simm.s32 $0x108;
	_ =	swait.ge @!p0 [sflag:s8], $0x0  }
0x24: {  	s3 =	sadd.s32 $0x88, s3;
	s6 =	simm.s32 @!p1 $0x1082;
	[sflag:s4] =	ssyncset.s32 $0xFFFFF086  }
0x25: {  	[simem:s6], [sflag:s4] =	dma.local [hbm:s3], $0xF7A  }
0x26: {  	[smem:$0x3F8E] =	sst s1;
	(tag) =	ssettag s2;
	_ =	strace s9  }
0x27: {  	s1 =	sld [smem:$0x3F9E]  }
0x28: {  	s2 =	sld [smem:$0x3F9F]  }
0x29: {  	s4 =	sld [smem:$0x3FA1]  }
0x2a: {  	p0 =	seq.s32 s5, $0x0;
	s5 =	sld [smem:$0x3FA2]  }
0x2b: {  	s6 =	sld [smem:$0x3FA3]  }
0x2c: {  	s7 =	sld [smem:$0x3FA4]  }
0x2d: {  	s3 =	simm.s32 $0x108;
	s8 =	sld [smem:$0x3FA5]  }
0x2e: {  	s3 =	simm.s32 @!p0 $0x1082;
	s9 =	sld [smem:$0x3FA6]  }
0x2f: {  	lr =	sadd.s32 s0, s3;
	s0 =	sld [smem:$0x3F9D]  }
0x30: {  	s3 =	sld [smem:$0x3FA0]  }
0x31: {  	[smem:$0x3FA9] =	sst s10  }
0x32: {  	s10 =	sld [smem:$0x3FA7];
	_ =	sdelay $0x3  }
0x33: {  	p0 =	seq.s32 s10, $0x1;
	s10 =	sld [smem:$0x3FA9];
	_ =	sdelay $0x3  }
0x34: {  	[smem:$0x3FA9] =	sst s10  }
0x35: {  	s10 =	sld [smem:$0x3FA8];
	_ =	sdelay $0x3  }
0x36: {  	p1 =	seq.s32 s10, $0x1;
	s10 =	sld [smem:$0x3FA9];
	_ =	sdelay $0x3  }
0x37: {  	[smem:$0x3FA9] =	sst s10  }
0x38: {  	s10 =	sld [smem:$0x3FAA]  }
0x39: {  	_ = 	snop;
	(pc) =	sbr.ind lr, $3  }
0x3a: {  	_ = 	snop  }
0x3b: {  	_ = 	snop  }
0x3c: {  	p2 =	seq.s32 s10, $0x1;
	s10 =	sld [smem:$0x3FA9]  }
0x3d: {  	_ =	shalt  }
0x3e: {  	_ =	shalt  }
0x3f: {  	_ =	shalt  }
0x40: {  	_ =	shalt  }
0x41: {  	_ =	shalt  }
0x42: {  	_ =	shalt  }
0x43: {  	_ =	shalt  }
0x44: {  	_ =	shalt  }
0x45: {  	_ =	shalt  }
0x46: {  	_ =	shalt  }
0x47: {  	_ =	shalt  }
0x48: {  	_ =	shalt  }
0x49: {  	_ =	shalt  }
0x4a: {  	_ =	shalt  }
0x4b: {  	_ =	shalt  }
0x4c: {  	_ =	shalt  }
0x4d: {  	_ =	shalt  }
0x4e: {  	_ =	shalt  }
0x4f: {  	_ =	shalt  }
0x50: {  	_ =	shalt  }
0x51: {  	_ =	shalt  }
0x52: {  	_ =	shalt  }
0x53: {  	_ =	shalt  }
0x54: {  	_ =	shalt  }
0x55: {  	_ =	shalt  }
0x56: {  	_ =	shalt  }
0x57: {  	_ =	shalt  }
0x58: {  	_ =	shalt  }
0x59: {  	_ =	shalt  }
0x5a: {  	_ =	shalt  }
0x5b: {  	_ =	shalt  }
0x5c: {  	_ =	shalt  }
0x5d: {  	_ =	shalt  }
0x5e: {  	_ =	shalt  }
0x5f: {  	_ =	shalt  }
0x60: {  	_ =	shalt  }
0x61: {  	_ =	shalt  }
0x62: {  	_ =	shalt  }
0x63: {  	_ =	shalt  }
0x64: {  	_ =	shalt  }
0x65: {  	_ =	shalt  }
0x66: {  	_ =	shalt  }
0x67: {  	_ =	shalt  }
0x68: {  	_ =	shalt  }
0x69: {  	_ =	shalt  }
0x6a: {  	_ =	shalt  }
0x6b: {  	_ =	shalt  }
0x6c: {  	_ =	shalt  }
0x6d: {  	_ =	shalt  }
0x6e: {  	_ =	shalt  }
0x6f: {  	_ =	shalt  }
0x70: {  	_ =	shalt  }
0x71: {  	_ =	shalt  }
0x72: {  	_ =	shalt  }
0x73: {  	_ =	shalt  }
0x74: {  	_ =	shalt  }
0x75: {  	_ =	shalt  }
0x76: {  	_ =	shalt  }
0x77: {  	_ =	shalt  }
0x78: {  	_ =	shalt  }
0x79: {  	_ =	shalt  }
0x7a: {  	_ =	shalt  }
0x7b: {  	_ =	shalt  }
0x7c: {  	_ =	shalt  }
0x7d: {  	_ =	shalt  }
0x7e: {  	_ =	shalt  }
0x7f: {  	_ =	shalt  }
0x80: {  	_ =	shalt  }
0x81: {  	_ =	shalt  }
0x82: {  	_ =	shalt  }
0x83: {  	_ =	shalt  }
0x84: {  	_ =	shalt  }
0x85: {  	_ =	shalt  }
0x86: {  	_ =	shalt  }
0x87: {  	_ =	shalt  }
.Lfunc_end0:
.L_simem_size_0:
called_computation_lowered:
.L_overlay_start_0:
0x88: {  	s2 =	sld [smem:$0x3FD9]  }
0x89: {  	s3 =	sld [smem:$0x3FFE];
	_ =	sdelay $0x1  }
0x8a: {  	s1 =	srdreg.scid  }
0x8b: {  	s0 =	sand.u32 $0x1, s1  }
0x8c: {  	s14 =	sshll.u32 s0, $0xA;
	s2 =	sadd.s32 s3, s2  }
0x8d: {  	s2 =	sadd.s32 s2, s14  }
0x8e: {  	[smem:$0x3FB5] =	sst s2  }
0x8f: {  	_ = 	snop  }
0x90: {  	s2 =	sld [smem:$0x3FD0];
	_ =	sdelay $0x2  }
0x91: {  	s15 =	simm.s32 $0xA;
	s4 =	simm.s32 $0x10  }
0x92: {  	[smem:s4], [sflag:s15] =	dma.local [hbm:s2], $0x1  }
0x93: {  	_ =	swait.eq [sflag:s15], $0x1  }
0x94: {  	[sflag:s15] =	ssyncset.done $0x0  }
0x95: {  	[sflag:s15] =	ssyncadd.s32 $0xFFFFFFFF  }
0x96: {  	s16 =	sld [smem:$0x10];
	(tm) =	ssettm $0x1  }
0x97: {  	s17 =	sld [smem:$0x3FFB];
	_ =	sdelay $0x3  }
0x98: {  	_ =	strace s17  }
0x99: {  	s3 =	sld [smem:$0x3FFC];
	_ =	sdelay $0x3  }
0x9a: {  	_ =	strace s3  }
0x9b: {  	s3 =	sld [smem:$0x3FFD];
	_ =	sdelay $0x3  }
0x9c: {  	_ =	strace s3  }
0x9d: {  	_ =	strace $0x8FFFFFFF  }
0x9e: {  	s18 =	sld [smem:$0x3FDB];
	_ =	sdelay $0x1  }
0x9f: {  	s19 =	simm.s32 $_scs_section_size  }
0xa0: {  	s5 =	simm.s32 $_size__tile_overlayer_lowered;
	s6 =	simm.s32 $_tile_overlayer_lowered  }
0xa1: {  	s22 =	simm.s32 $0x1BFF;
	s21 =	sshll.u32 s6, $0x1;
	s3 =	sadd.s32 s19, s18  }
0xa2: {  	s7 =	simm.s32 $0x0;
	s20 =	sshll.u32 s5, $0x1;
	s5 =	sadd.s32 s21, s3  }
0xa3: {  	[timem:s7], [sflag:s22] =	dma.local [hbm:s5], s20  }
0xa4: {  	_ =	swait.ge [sflag:s22], s20  }
0xa5: {  	s4 =	ssub.s32 $0x0, s20;
	[sflag:s22] =	ssyncset.done $0x0  }
0xa6: {  	[sflag:s22] =	ssyncadd.s32 s4;
	_ =	sdelay $0x1  }
0xa7: {  	s23 =	simm.s32 $0x1B8B  }
0xa8: {  	_ =	swait.ge [sflag:s23], $0x1  }
0xa9: {  	[sflag:s23] =	ssyncset.done $0x0  }
0xaa: {  	s25 =	simm.s32 $0x1B8E;
	s24 =	sld [smem:$0x3FFE];
	[sflag:s23] =	ssyncadd.s32 $0xFFFFFFFF  }
0xab: {  	s26 =	simm.s32 $execute0_lowered;
	[smem:$0x3FD2] =	sst s25  }
0xac: {  	s5 =	sshll.u32 s26, $0x1;
	_ =	strace $0x80000046;
	[dreg:$0x1] =	wrdreg $0xFFFFFFFF  }
0xad: {  	s28 =	simm.s32 $_size_execute0_lowered;
	s3 =	sadd.s32 s3, s5;
	[dreg:$0x0] =	wrdreg $0x0  }
0xae: {  	s5 =	sshll.u32 s28, $0x1;
	[dreg:$0x2] =	wrdreg s3  }
0xaf: {  	[dreg:$0x3] =	wrdreg s5  }
0xb0: {  	[dreg:$0x4] =	wrdreg $0xC0  }
0xb1: {  	_ =	task [dreg:s7], $0x5FFFF  }
0xb2: {  	[dreg:$0x1] =	wrdreg $0xFFFFFFFF  }
0xb3: {  	[dreg:$0x0] =	wrdreg $0x60  }
0xb4: {  	[dreg:$0x2] =	wrdreg s16  }
0xb5: {  	[dreg:$0x3] =	wrdreg s24  }
0xb6: {  	[dreg:$0x4] =	wrdreg $0x9  }
0xb7: {  	_ =	task.clear_ibuf [dreg:s7], $0x5FFFF;
	_ =	strace $0x90000046  }
0xb8: {  	s29 =	simm.s32 $0x9;
	_ =	strace $0x80000048  }
0xb9: {  	_ =	swait.ge [sflag:s29], $0x1  }
0xba: {  	[sflag:s29] =	ssyncadd.s32 $0xFFFFFFFF  }
0xbb: {  	_ =	strace $0x90000048  }
0xbc: {  	_ =	sfence  }
0xbd: {  	s30 =	sld [smem:$0x0];
	_ =	sdelay $0x2  }
0xbe: {  	s31 =	sshll.u32 s1, $0xD;
	s1 =	sshrl.u32 s1, $0x2  }
0xbf: {  	s3 =	sand.u32 $0x4000, s31;
	s1 =	sadd.s32 s1, s30  }
0xc0: {  	s0 =	sor.u32 s3, s0;
	s1 =	sshll.u32 s1, $0x11  }
0xc1: {  	s0 =	sor.u32 s1, s0  }
0xc2: {  	s0 =	sadd.s32 $0x8F2B, s0  }
0xc3: {  	[sflag:s0] =	ssyncadd.remote.s32 $0x1  }
0xc4: {  	_ =	sfence.sel $0xFFFF  }
0xc5: {  	[dreg:$0x0] =	wrdreg $0xFFFFFFFF;
	(pc) =	sbr.abs _section_cstart, $3  }
0xc6: {  	[dreg:$0x1] =	wrdreg $0xFFFFFFFF  }
0xc7: {  	_ =	task.clear_ibuf [dreg:s7], $0x2FFFF;
	_ =	strace $0x9FFFFFFF  }
0xc8: {  	(tm) =	ssettm $0x7FFFFFFF  }
0xc9: {  	_ =	shalt  }
tec
execute0_lowered:
.L_overlay_start_1:
0x0: {  	(tag) =	ssettag $0x1  }
0x1: {  	s1 =	srdreg.scid  }
0x2: {  	s0 =	stileid.u32;
	s3 =	rddreg [dreg:$0x0]  }
0x3: {  	s5 =	rddreg [dreg:$0x1];
	s8 =	simm.s32 $0x80;
	s26 =	simm.s32 $0x880  }
0x4: {  	s9 =	simm.s32 $0x1080;
	s10 =	simm.s32 $0x1880;
	s11 =	simm.s32 $0x2080  }
0x5: {  	s12 =	simm.s32 $0x2880;
	s13 =	simm.s32 $0x3080;
	s14 =	simm.s32 $0x3880  }
0x6: {  	s15 =	simm.s32 $0x4080;
	s16 =	simm.s32 $0x4880;
	s17 =	simm.s32 $0x5080  }
0x7: {  	s18 =	simm.s32 $0x5880;
	s19 =	simm.s32 $0x6080;
	s20 =	simm.s32 $0x6880  }
0x8: {  	s21 =	simm.s32 $0x7080;
	s22 =	simm.s32 $0x7880;
	s23 =	simm.s32 $0x8080  }
0x9: {  	s24 =	simm.s32 $0x8880;
	s25 =	simm.s32 $0x9080;
	s28 =	simm.s32 $0xA080  }
0xa: {  	s29 =	simm.s32 $0xA880;
	s1 =	sand.u32 $0x1, s1;
	s2 =	sshll.u32 s0, $0x1  }
0xb: {  	s30 =	simm.s32 $0xB080;
	s31 =	simm.s32 $0xB880;
	s4 =	sor.u32 s1, s2  }
0xc: {  	s2 =	simm.s32 $0x0;
	s1 =	ssub.s32 $0x2, s1;
	s6 =	sshll.u32 s4, $0x4  }
0xd: {  	[smem:$0x7FF] =	sst s2;
	s4 =	smul.u32 $0x1800, s4;
	s7 =	sshrl.u32 s1, $0x1  }
0xe: {  	s6 =	sadd.s32 s6, s5;
	_ =	strace $0x80000047;
	s1 =	ssub.s32 s1, s7  }
0xf: {  	s7 =	simm.s32 $0x2;
	[dreg:$0x5] =	wrdreg s26;
	s6 =	sadd.s32 $0xB200, s6  }
0x10: {  	v2 =	vlaneseq.u32;
	s26 =	simm.s32 $0x9880;
	s4 =	sadd.s32 s3, s4;
	[dreg:$0x3] =	wrdreg s6  }
0x11: {  	vm0 =	vmmov $0xffff;
	v1 =	vshrl.u32 v2, $0x3;
	s3 =	sadd.s32 $0xB400, s5;
	[dreg:$0x4] =	wrdreg s4;
	s4 =	sadd.s32 $0xB500, s5  }
0x12: {  	v0 =	vand.u32 $0x7, v2;
	v2 =	vor.u32 $0x8, v2;
	v1 =	vmul.u32 $0x8, v1;
	s5 =	sadd.s32 $0xB600, s5;
	s6 =	smax.u32 s1, $0x1;
	s1 =	simm.s32 $0x1  }
.LBB2_1:
0x13: {  	s0 =	rddreg [dreg:$0x3]  }
0x14: {  	[tilespmem:s2], [sflag:$0x2] =	stream.linear.gather [hbm4b:s0+s2], $0x80, $0x38;
	[tilespmem:$0xC080] =	vst v63  }
0x15: {  	_ =	swait.ge [sflag:s7], $0x80  }
0x16: {  	[sflag:s7] =	ssyncset.done $0x0  }
0x17: {  	s0 =	rddreg [dreg:$0x4];
	[sflag:s7] =	ssyncadd.s32 $0xFFFFFF80  }
0x18: {  	[tilespmem:s8], [sflag:$0x2] =	stream.linear.gather [hbm4b:s0+s2], $0xC000, $0x38;
	[tilespmem:$0xC080] =	vst v63  }
0x19: {  	_ =	swait.ge [sflag:s7], $0xC000  }
0x1a: {  	[sflag:s7] =	ssyncset.done $0x0  }
0x1b: {  	[sflag:s7] =	ssyncadd.s32 $0xFFFF4000  }
0x1c: {  	v3 =	vld [tilespmem:$0x0];
	_ =	sdelay $0x4  }
0x1d: {  	v4 =	vshrl.u32 v3, $0x3  }
0x1e: {  	v4 =	vmul.u32 $0x30, v4  }
0x1f: {  	v3 =	vand.u32 $0x7, v3  }
0x20: {  	v3 =	vor.u32 v3, v4  }
0x21: {  	v4 =	vperm.xlane v3, v0;
	_ =	sdelay $0x1  }
0x22: {  	v4 =	vadd.s32 v1, v4;
	_ =	sdelay $0x3  }
0x23: {  	v3 =	vperm.xlane v3, v2  }
0x24: {  	[hbm4b:s3+s2] =	stream.indirect_vreg.scatter [tilespmem:s8], [sflag:$0x1], $0x80, v4, vm0, $0xb8;
	[tilespmem:$0xC080] =	vst v63  }
0x25: {  	s0 =	rddreg [dreg:$0x5];
	v3 =	vadd.s32 v1, v3  }
0x26: {  	[hbm4b:s4+s2] =	stream.indirect_vreg.scatter [tilespmem:s0], [sflag:$0x1], $0x80, v4, vm0, $0xb8;
	[tilespmem:$0xC080] =	vst v63  }
0x27: {  	_ = 	snop  }
0x28: {  	[hbm4b:s5+s2] =	stream.indirect_vreg.scatter [tilespmem:s9], [sflag:$0x1], $0x80, v4, vm0, $0xb8;
	[tilespmem:$0xC080] =	vst v63  }
0x29: {  	_ = 	snop  }
0x2a: {  	[hbm4b:s3+s2] =	stream.indirect_vreg.scatter [tilespmem:s10], [sflag:$0x1], $0x80, v3, vm0, $0xb8;
	[tilespmem:$0xC080] =	vst v63  }
0x2b: {  	_ = 	snop  }
0x2c: {  	[hbm4b:s4+s2] =	stream.indirect_vreg.scatter [tilespmem:s11], [sflag:$0x1], $0x80, v3, vm0, $0xb8;
	[tilespmem:$0xC080] =	vst v63  }
0x2d: {  	_ = 	snop  }
0x2e: {  	[hbm4b:s5+s2] =	stream.indirect_vreg.scatter [tilespmem:s12], [sflag:$0x1], $0x80, v3, vm0, $0xb8;
	[tilespmem:$0xC080] =	vst v63  }
0x2f: {  	v3 =	vld [tilespmem:$0x10];
	_ =	sdelay $0x4  }
0x30: {  	v61 =	vshrl.u32 v3, $0x3  }
0x31: {  	v4 =	vmul.u32 $0x30, v61  }
0x32: {  	v3 =	vand.u32 $0x7, v3  }
0x33: {  	v3 =	vor.u32 v3, v4  }
0x34: {  	v4 =	vperm.xlane v3, v0;
	_ =	sdelay $0x1  }
0x35: {  	v4 =	vadd.s32 v1, v4;
	_ =	sdelay $0x3  }
0x36: {  	v3 =	vperm.xlane v3, v2  }
0x37: {  	[hbm4b:s3+s2] =	stream.indirect_vreg.scatter [tilespmem:s13], [sflag:$0x1], $0x80, v4, vm0, $0xb8;
	[tilespmem:$0xC080] =	vst v63  }
0x38: {  	v3 =	vadd.s32 v1, v3  }
0x39: {  	[hbm4b:s4+s2] =	stream.indirect_vreg.scatter [tilespmem:s14], [sflag:$0x1], $0x80, v4, vm0, $0xb8;
	[tilespmem:$0xC080] =	vst v63  }
0x3a: {  	_ = 	snop  }
0x3b: {  	[hbm4b:s5+s2] =	stream.indirect_vreg.scatter [tilespmem:s15], [sflag:$0x1], $0x80, v4, vm0, $0xb8;
	[tilespmem:$0xC080] =	vst v63  }
0x3c: {  	_ = 	snop  }
0x3d: {  	[hbm4b:s3+s2] =	stream.indirect_vreg.scatter [tilespmem:s16], [sflag:$0x1], $0x80, v3, vm0, $0xb8;
	[tilespmem:$0xC080] =	vst v63  }
0x3e: {  	_ = 	snop  }
0x3f: {  	[hbm4b:s4+s2] =	stream.indirect_vreg.scatter [tilespmem:s17], [sflag:$0x1], $0x80, v3, vm0, $0xb8;
	[tilespmem:$0xC080] =	vst v63  }
0x40: {  	_ = 	snop  }
0x41: {  	[hbm4b:s5+s2] =	stream.indirect_vreg.scatter [tilespmem:s18], [sflag:$0x1], $0x80, v3, vm0, $0xb8;
	[tilespmem:$0xC080] =	vst v63  }
0x42: {  	v3 =	vld [tilespmem:$0x20];
	_ =	sdelay $0x4  }
0x43: {  	v62 =	vshrl.u32 v3, $0x3  }
0x44: {  	v4 =	vmul.u32 $0x30, v62  }
0x45: {  	v3 =	vand.u32 $0x7, v3  }
0x46: {  	v3 =	vor.u32 v3, v4  }
0x47: {  	v4 =	vperm.xlane v3, v0;
	_ =	sdelay $0x1  }
0x48: {  	v4 =	vadd.s32 v1, v4;
	_ =	sdelay $0x3  }
0x49: {  	v3 =	vperm.xlane v3, v2  }
0x4a: {  	[hbm4b:s3+s2] =	stream.indirect_vreg.scatter [tilespmem:s19], [sflag:$0x1], $0x80, v4, vm0, $0xb8;
	[tilespmem:$0xC080] =	vst v63  }
0x4b: {  	v3 =	vadd.s32 v1, v3  }
0x4c: {  	[hbm4b:s4+s2] =	stream.indirect_vreg.scatter [tilespmem:s20], [sflag:$0x1], $0x80, v4, vm0, $0xb8;
	[tilespmem:$0xC080] =	vst v63  }
0x4d: {  	_ = 	snop  }
0x4e: {  	[hbm4b:s5+s2] =	stream.indirect_vreg.scatter [tilespmem:s21], [sflag:$0x1], $0x80, v4, vm0, $0xb8;
	[tilespmem:$0xC080] =	vst v63  }
0x4f: {  	_ = 	snop  }
0x50: {  	[hbm4b:s3+s2] =	stream.indirect_vreg.scatter [tilespmem:s22], [sflag:$0x1], $0x80, v3, vm0, $0xb8;
	[tilespmem:$0xC080] =	vst v63  }
0x51: {  	_ = 	snop  }
0x52: {  	[hbm4b:s4+s2] =	stream.indirect_vreg.scatter [tilespmem:s23], [sflag:$0x1], $0x80, v3, vm0, $0xb8;
	[tilespmem:$0xC080] =	vst v63  }
0x53: {  	_ = 	snop  }
0x54: {  	[hbm4b:s5+s2] =	stream.indirect_vreg.scatter [tilespmem:s24], [sflag:$0x1], $0x80, v3, vm0, $0xb8;
	[tilespmem:$0xC080] =	vst v63  }
0x55: {  	v3 =	vld [tilespmem:$0x30];
	_ =	sdelay $0x4  }
0x56: {  	v63 =	vshrl.u32 v3, $0x3  }
0x57: {  	v4 =	vmul.u32 $0x30, v63  }
0x58: {  	v3 =	vand.u32 $0x7, v3  }
0x59: {  	v3 =	vor.u32 v3, v4  }
0x5a: {  	v4 =	vperm.xlane v3, v0;
	_ =	sdelay $0x1  }
0x5b: {  	v4 =	vadd.s32 v1, v4;
	_ =	sdelay $0x3  }
0x5c: {  	v3 =	vperm.xlane v3, v2  }
0x5d: {  	[hbm4b:s3+s2] =	stream.indirect_vreg.scatter [tilespmem:s25], [sflag:$0x1], $0x80, v4, vm0, $0xb8;
	[tilespmem:$0xC080] =	vst v63  }
0x5e: {  	v3 =	vadd.s32 v1, v3  }
0x5f: {  	[hbm4b:s4+s2] =	stream.indirect_vreg.scatter [tilespmem:s26], [sflag:$0x1], $0x80, v4, vm0, $0xb8;
	[tilespmem:$0xC080] =	vst v63  }
0x60: {  	_ = 	snop  }
0x61: {  	[hbm4b:s5+s2] =	stream.indirect_vreg.scatter [tilespmem:s28], [sflag:$0x1], $0x80, v4, vm0, $0xb8;
	[tilespmem:$0xC080] =	vst v63  }
0x62: {  	_ = 	snop  }
0x63: {  	[hbm4b:s3+s2] =	stream.indirect_vreg.scatter [tilespmem:s29], [sflag:$0x1], $0x80, v3, vm0, $0xb8;
	[tilespmem:$0xC080] =	vst v63  }
0x64: {  	p0 =	sne.s32 s6, $0x1  }
0x65: {  	[hbm4b:s4+s2] =	stream.indirect_vreg.scatter [tilespmem:s30], [sflag:$0x1], $0x80, v3, vm0, $0xb8;
	[tilespmem:$0xC080] =	vst v63  }
.Ltmp0:
0x66: {  	_ = 	snop;
	(pc) =	sbr.rel @p0 .LBB2_1-.Ltmp0, $4  }
0x67: {  	[hbm4b:s5+s2] =	stream.indirect_vreg.scatter [tilespmem:s31], [sflag:$0x1], $0x80, v3, vm0, $0xb8;
	[tilespmem:$0xC080] =	vst v63  }
0x68: {  	_ =	swait.ge [sflag:s1], $0xC000  }
0x69: {  	[sflag:s1] =	ssyncset.done $0x0  }
0x6a: {  	s6 =	sadd.s32 $0xFFFFFFFF, s6;
	[sflag:s1] =	ssyncadd.s32 $0xFFFF4000  }
0x6b: {  	_ =	sfence.sel $0x180000  }
0x6c: {  	[bflag:$0x0] =	sbarrier.arrive $0xFFFF  }
0x6d: {  	_ =	strace $0x90000047  }
0x6e: {  	s0 =	stileid.u32;
	[bflag:$0x2] =	sbarrier.arrive $0xFFFF  }
0x6f: {  	p0 =	sne.s32 s0, $0x0;
	s0 =	rddreg [dreg:$0x2]  }
0x70: {  	s0 =	sadd.s32 @!p0 $0x100000, s0  }
0x71: {  	[sflag:s0] =	ssyncadd.tile.s32 @!p0 $0x1;
	_ =	shalt  }
.Lfunc_end2:
_tile_overlayer_lowered:
.L_overlay_start_2:
0x72: {  	(tag) =	ssettag $0x2  }
0x73: {  	s0 =	rddreg [dreg:$0x0];
	s2 =	stileid.u32  }
0x74: {  	s1 =	rddreg [dreg:$0x1];
	p0 =	sne.s32 s2, $0x0  }
0x75: {  	s3 =	rddreg [dreg:$0x2];
	[bflag:$0x3] =	sbarrier.arrive $0xFFFF;
	s2 =	simm.s32 @!p0 $0x1C02  }
0x76: {  	[timem:s3], [sflag:s2] =	dma.local @!p0 [hbm:s0], s1  }
0x77: {  	s0 =	simm.s32 @!p0 $0x2  }
0x78: {  	_ =	swait.ge @!p0 [sflag:s0], s1  }
0x79: {  	s1 =	ssub.s32 @!p0 $0x0, s1;
	[sflag:s0] =	ssyncset.done @!p0 $0x0  }
0x7a: {  	[sflag:s0] =	ssyncadd.s32 @!p0 s1  }
0x7b: {  	[bflag:$0x3] =	sbarrier.arrive $0xFFFF  }
0x7c: {  	_ =	shalt  }

</sc_bundles>
